<compile_context>
chip_gen: v7x
topology: tpu7x:2x2x1
jax: 0.10.2.dev20260603
libtpu: 0.0.44.dev20260713+nightly
codegen_flags: <defaults>
</compile_context>

<pallas_src>
import functools

import jax
import jax.numpy as jnp
from jax import lax
from jax.experimental import pallas as pl
from jax.experimental.pallas import tpu as pltpu
from jax.experimental.pallas import tpu_sc as plsc

VOCAB = 1000000
EMBED_DIM = 64
HIDDEN = 128
NUM_CLASS = 10
BATCH = 16384
SEQ = 50

NC, NS = 2, 16
NW = NC * NS
BAGS_PER_W = BATCH // NW
IDX_PER_W = BAGS_PER_W * SEQ
GROUP = 128
GROUPS_PER_W = IDX_PER_W // GROUP
CHUNKS = BAGS_PER_W // GROUP
NBUF = 8


def _emb_bag_sum(text_t, table, bagids, zeros):
    mesh = plsc.VectorSubcoreMesh(core_axis_name="c", subcore_axis_name="s")

    @functools.partial(
        pl.kernel,
        mesh=mesh,
        compiler_params=pltpu.CompilerParams(use_tc_tiling_on_sc=False),
        out_type=jax.ShapeDtypeStruct((BATCH, EMBED_DIM), jnp.float32),
        scratch_types=[
            pltpu.VMEM((SEQ, BAGS_PER_W), jnp.int32),
            pltpu.VMEM((CHUNKS, GROUP), jnp.int32),
        ] + [pltpu.VMEM((GROUP, EMBED_DIM), jnp.float32)] * NBUF + [
            pltpu.VMEM_SHARED((NS * BAGS_PER_W, EMBED_DIM), jnp.float32),
        ] + [pltpu.SemaphoreType.DMA] * (2 * NBUF),
    )
    def k(text_hbm, table_hbm, bagid_hbm, zeros_hbm, out_hbm,
          idx_v, bagid_v, *rest):
        rows_bufs = rest[:NBUF]
        acc_sh = rest[NBUF]
        sems = rest[NBUF + 1:2 * NBUF + 1]
        ssems = rest[2 * NBUF + 1:]
        cid = lax.axis_index("c")
        sid = lax.axis_index("s")
        wid = sid * NC + cid
        pltpu.sync_copy(text_hbm.at[:, pl.ds(wid * BAGS_PER_W, BAGS_PER_W)],
                        idx_v)
        pltpu.sync_copy(bagid_hbm.at[sid], bagid_v)
        pltpu.sync_copy(zeros_hbm, acc_sh.at[pl.ds(sid * BAGS_PER_W,
                                                   BAGS_PER_W)])

        bufs = tuple(zip(rows_bufs, sems))

        def idx_slice(t):
            ci = t // SEQ
            s = t - ci * SEQ
            return idx_v.at[s, pl.ds(ci * GROUP, GROUP)]

        def bag_slice(t):
            return bagid_v.at[t // SEQ]

        for p in range(NBUF - 1):
            pltpu.async_copy(table_hbm.at[idx_slice(p)], bufs[p][0],
                             bufs[p][1])

        @pl.loop(0, GROUPS_PER_W, step=NBUF)
        def _(g):
            for j in range(NBUF):
                rows, sem = bufs[j]
                nrows, nsem = bufs[(j + NBUF - 1) % NBUF]
                prows = rows_bufs[(j + NBUF - 1) % NBUF]
                pssem = ssems[(j + NBUF - 1) % NBUF]
                pltpu.make_async_copy(table_hbm.at[idx_slice(g + j)],
                                      rows, sem).wait()
                pltpu.async_copy(rows, acc_sh.at[bag_slice(g + j)], ssems[j],
                                 add=True)

                @pl.when(g + j + NBUF - 1 < GROUPS_PER_W)
                def _():
                    @pl.when(g + j > 0)
                    def _():
                        pltpu.make_async_copy(
                            prows, acc_sh.at[pl.ds(sid * BAGS_PER_W, GROUP)],
                            pssem).wait()

                    pltpu.async_copy(table_hbm.at[idx_slice(g + j + NBUF - 1)],
                                     nrows, nsem)

        for j in range(NBUF):
            pltpu.make_async_copy(rows_bufs[j],
                                  acc_sh.at[pl.ds(sid * BAGS_PER_W, GROUP)],
                                  ssems[j]).wait()
        pltpu.sync_copy(acc_sh.at[pl.ds(sid * BAGS_PER_W, BAGS_PER_W)],
                        out_hbm.at[pl.ds(wid * BAGS_PER_W, BAGS_PER_W)])

    return k(text_t, table, bagids, zeros)


_BM = 1024


def _mlp_body(x_ref, w1_ref, b1_ref, w2_ref, b2_ref, o_ref):
    x = jnp.dot(x_ref[...], w1_ref[...], preferred_element_type=jnp.float32)
    x = jnp.maximum(x + b1_ref[...], 0.0)
    o_ref[...] = (
        jnp.dot(x, w2_ref[...], preferred_element_type=jnp.float32)
        + b2_ref[...])


def _mlp(x, w1, b1, w2, b2):
    return pl.pallas_call(
        _mlp_body,
        grid=(BATCH // _BM,),
        in_specs=[
            pl.BlockSpec((_BM, EMBED_DIM), lambda i: (i, 0)),
            pl.BlockSpec((EMBED_DIM, HIDDEN), lambda i: (0, 0)),
            pl.BlockSpec((1, HIDDEN), lambda i: (0, 0)),
            pl.BlockSpec((HIDDEN, NUM_CLASS), lambda i: (0, 0)),
            pl.BlockSpec((1, NUM_CLASS), lambda i: (0, 0)),
        ],
        out_specs=pl.BlockSpec((_BM, NUM_CLASS), lambda i: (i, 0)),
        out_shape=jax.ShapeDtypeStruct((BATCH, NUM_CLASS), jnp.float32),
    )(x, w1, b1, w2, b2)


def kernel(text, emb_table, W1, b1, W2, b2):
    local = (jnp.arange(BAGS_PER_W, dtype=jnp.int32)).reshape(
        1, CHUNKS, GROUP)
    offs = (jnp.arange(NS, dtype=jnp.int32) * BAGS_PER_W).reshape(NS, 1, 1)
    bagids = local + offs
    zeros = jnp.zeros((BAGS_PER_W, EMBED_DIM), jnp.float32)
    sums = _emb_bag_sum(text.T, emb_table, bagids, zeros)
    w1s = W1 * (1.0 / SEQ)
    return _mlp(sums, w1s, b1.reshape(1, HIDDEN), W2, b2.reshape(1, NUM_CLASS))

# --- scband reference (transcript-rebuilt; emitter-appended) ---
"""Pipeline reference for scband-fnn-7507602833973 (READ-ONLY COPY).

The authoritative reference and input builder live on the scoring server;
editing this copy changes nothing except your own understanding.
"""

import jax, jax.numpy as jnp
import numpy as np

VOCAB = 1000000
EMBED_DIM = 64
HIDDEN = 128
NUM_CLASS = 10
BATCH = 16384
SEQ = 50

def setup_inputs(seed: int = 0) -> dict:
    key = jax.random.key(seed)
    k_text, k_emb, k_w1, k_b1, k_w2, k_b2 = jax.random.split(key, 6)
    text = jax.random.randint(k_text, (BATCH, SEQ), 0, VOCAB, dtype=jnp.int64 if jax.config.jax_enable_x64 else jnp.int32).astype(jnp.int32)
    emb_table = jax.random.normal(k_emb, (VOCAB, EMBED_DIM), dtype=jnp.float32)
    W1 = jax.random.normal(k_w1, (EMBED_DIM, HIDDEN), dtype=jnp.float32) * (1.0 / np.sqrt(EMBED_DIM))
    b1 = jax.random.normal(k_b1, (HIDDEN,), dtype=jnp.float32) * 0.01
    W2 = jax.random.normal(k_w2, (HIDDEN, NUM_CLASS), dtype=jnp.float32) * (1.0 / np.sqrt(HIDDEN))
    b2 = jax.random.normal(k_b2, (NUM_CLASS,), dtype=jnp.float32) * 0.01
    return {"text": text, "emb_table": emb_table, "W1": W1, "b1": b1, "W2": W2, "b2": b2}

def reference(text, emb_table, W1, b1, W2, b2):
    # nn.EmbeddingBag(mode='mean') on 2D input: gather then mean over bag dim
    gathered = jnp.take(emb_table, text, axis=0)          # [B, L, D]
    embedded = jnp.mean(gathered, axis=1)                 # [B, D]
    x = jax.nn.relu(embedded @ W1 + b1)                   # [B, 128]
    # dropout is identity in eval mode
    out = x @ W2 + b2                                     # [B, num_class]
    return out

if __name__ == "__main__":
    import jax
    _d = setup_inputs()
    print(jax.jit(kernel)(*tuple(_d.values())))

</pallas_src>

<mosaic_0001>
#map = affine_map<(d0, d1) -> (0, 0)>
#map1 = affine_map<(d0, d1) -> (0, 0, 0)>
module attributes {stable_mosaic.version = 14 : i64} {
  func.func @k(%arg0: i32, %arg1: i32, %arg2: memref<50x16384xi32, #tpu.memory_space<hbm>>, %arg3: memref<1000000x64xf32, #tpu.memory_space<hbm>>, %arg4: memref<16x4x128xi32, #tpu.memory_space<hbm>>, %arg5: memref<512x64xf32, #tpu.memory_space<hbm>>, %arg6: memref<16384x64xf32, #tpu.memory_space<hbm>>, %arg7: memref<50x512xi32, #tpu.memory_space<vmem>>, %arg8: memref<4x128xi32, #tpu.memory_space<vmem>>, %arg9: memref<128x64xf32, #tpu.memory_space<vmem>>, %arg10: memref<128x64xf32, #tpu.memory_space<vmem>>, %arg11: memref<128x64xf32, #tpu.memory_space<vmem>>, %arg12: memref<128x64xf32, #tpu.memory_space<vmem>>, %arg13: memref<128x64xf32, #tpu.memory_space<vmem>>, %arg14: memref<128x64xf32, #tpu.memory_space<vmem>>, %arg15: memref<128x64xf32, #tpu.memory_space<vmem>>, %arg16: memref<128x64xf32, #tpu.memory_space<vmem>>, %arg17: memref<8192x64xf32, #tpu.memory_space<vmem_shared>>, %arg18: memref<!tpu.dma_semaphore, #tpu.memory_space<semaphore_mem>>, %arg19: memref<!tpu.dma_semaphore, #tpu.memory_space<semaphore_mem>>, %arg20: memref<!tpu.dma_semaphore, #tpu.memory_space<semaphore_mem>>, %arg21: memref<!tpu.dma_semaphore, #tpu.memory_space<semaphore_mem>>, %arg22: memref<!tpu.dma_semaphore, #tpu.memory_space<semaphore_mem>>, %arg23: memref<!tpu.dma_semaphore, #tpu.memory_space<semaphore_mem>>, %arg24: memref<!tpu.dma_semaphore, #tpu.memory_space<semaphore_mem>>, %arg25: memref<!tpu.dma_semaphore, #tpu.memory_space<semaphore_mem>>, %arg26: memref<!tpu.dma_semaphore, #tpu.memory_space<semaphore_mem>>, %arg27: memref<!tpu.dma_semaphore, #tpu.memory_space<semaphore_mem>>, %arg28: memref<!tpu.dma_semaphore, #tpu.memory_space<semaphore_mem>>, %arg29: memref<!tpu.dma_semaphore, #tpu.memory_space<semaphore_mem>>, %arg30: memref<!tpu.dma_semaphore, #tpu.memory_space<semaphore_mem>>, %arg31: memref<!tpu.dma_semaphore, #tpu.memory_space<semaphore_mem>>, %arg32: memref<!tpu.dma_semaphore, #tpu.memory_space<semaphore_mem>>, %arg33: memref<!tpu.dma_semaphore, #tpu.memory_space<semaphore_mem>>) attributes {dimension_semantics = [#tpu.dimension_semantics<core_parallel>, #tpu.dimension_semantics<subcore_parallel>], iteration_bounds = array<i64: 2, 16>, scalar_prefetch = 0 : i64, scratch_operands = 27 : i64, tpu.core_type = #tpu.core_type<sc_vector_subcore>, window_params = [{transform_indices = #map}, {transform_indices = #map}, {transform_indices = #map1}, {transform_indices = #map}, {transform_indices = #map}]} {
    %mul3A = arith.constant 2 : i32
    %mul3A_0 = arith.muli %arg1, %mul3A : i32
    %add3A = arith.addi %mul3A_0, %arg0 : i32
    %mul3A_1 = arith.constant 512 : i32
    %mul3A_2 = arith.muli %add3A, %mul3A_1 : i32
    "tpu.region"() ({
      %run_scoped3A = tpu.sem_alloc : memref<!tpu.dma_semaphore, #tpu.memory_space<semaphore_mem>>
      %dma_start3A_108 = arith.constant 0 : i32
      %dma_start3A_109 = tpu.memref_slice %arg2[%dma_start3A_108, %mul3A_2] : memref<50x16384xi32, #tpu.memory_space<hbm>> -> memref<50x512xi32, #tpu.memory_space<hbm>>
      %dma_start3A_110 = arith.constant 0 : i32
      %dma_start3A_111 = tpu.memref_slice %arg2[%dma_start3A_110, %mul3A_2] : memref<50x16384xi32, #tpu.memory_space<hbm>> -> memref<50x512xi32, #tpu.memory_space<hbm>>
      tpu.enqueue_dma source(%dma_start3A_111 : memref<50x512xi32, #tpu.memory_space<hbm>>) target(%arg7 : memref<50x512xi32, #tpu.memory_space<vmem>>) target_semaphore(%run_scoped3A : memref<!tpu.dma_semaphore, #tpu.memory_space<semaphore_mem>>)
      %dma_wait3A_112 = arith.constant 0 : i32
      %dma_wait3A_113 = tpu.memref_slice %arg2[%dma_wait3A_112, %mul3A_2] : memref<50x16384xi32, #tpu.memory_space<hbm>> -> memref<50x512xi32, #tpu.memory_space<hbm>>
      %dma_wait3A_114 = arith.constant 0 : i32
      %dma_wait3A_115 = tpu.memref_slice %arg2[%dma_wait3A_114, %mul3A_2] : memref<50x16384xi32, #tpu.memory_space<hbm>> -> memref<50x512xi32, #tpu.memory_space<hbm>>
      tpu.wait_dma2 semaphore(%run_scoped3A : memref<!tpu.dma_semaphore, #tpu.memory_space<semaphore_mem>>) src(%dma_wait3A_115 : memref<50x512xi32, #tpu.memory_space<hbm>>) dst(%arg7 : memref<50x512xi32, #tpu.memory_space<vmem>>)
      tpu.yield
    }) : () -> ()
    "tpu.region"() ({
      %run_scoped3A = tpu.sem_alloc : memref<!tpu.dma_semaphore, #tpu.memory_space<semaphore_mem>>
      %dma_start3A_108 = arith.constant 0 : i32
      %dma_start3A_109 = arith.constant 0 : i32
      %dma_start3A_110 = tpu.memref_slice %arg4[%arg1, %dma_start3A_108, %dma_start3A_109] : memref<16x4x128xi32, #tpu.memory_space<hbm>> -> memref<1x4x128xi32, #tpu.memory_space<hbm>>
      %dma_start3A_111 = tpu.memref_squeeze %dma_start3A_110 : memref<1x4x128xi32, #tpu.memory_space<hbm>> -> memref<4x128xi32, #tpu.memory_space<hbm>>
      %dma_start3A_112 = arith.constant 0 : i32
      %dma_start3A_113 = arith.constant 0 : i32
      %dma_start3A_114 = tpu.memref_slice %arg4[%arg1, %dma_start3A_112, %dma_start3A_113] : memref<16x4x128xi32, #tpu.memory_space<hbm>> -> memref<1x4x128xi32, #tpu.memory_space<hbm>>
      %dma_start3A_115 = tpu.memref_squeeze %dma_start3A_114 : memref<1x4x128xi32, #tpu.memory_space<hbm>> -> memref<4x128xi32, #tpu.memory_space<hbm>>
      tpu.enqueue_dma source(%dma_start3A_115 : memref<4x128xi32, #tpu.memory_space<hbm>>) target(%arg8 : memref<4x128xi32, #tpu.memory_space<vmem>>) target_semaphore(%run_scoped3A : memref<!tpu.dma_semaphore, #tpu.memory_space<semaphore_mem>>)
      %dma_wait3A_116 = arith.constant 0 : i32
      %dma_wait3A_117 = arith.constant 0 : i32
      %dma_wait3A_118 = tpu.memref_slice %arg4[%arg1, %dma_wait3A_116, %dma_wait3A_117] : memref<16x4x128xi32, #tpu.memory_space<hbm>> -> memref<1x4x128xi32, #tpu.memory_space<hbm>>
      %dma_wait3A_119 = tpu.memref_squeeze %dma_wait3A_118 : memref<1x4x128xi32, #tpu.memory_space<hbm>> -> memref<4x128xi32, #tpu.memory_space<hbm>>
      %dma_wait3A_120 = arith.constant 0 : i32
      %dma_wait3A_121 = arith.constant 0 : i32
      %dma_wait3A_122 = tpu.memref_slice %arg4[%arg1, %dma_wait3A_120, %dma_wait3A_121] : memref<16x4x128xi32, #tpu.memory_space<hbm>> -> memref<1x4x128xi32, #tpu.memory_space<hbm>>
      %dma_wait3A_123 = tpu.memref_squeeze %dma_wait3A_122 : memref<1x4x128xi32, #tpu.memory_space<hbm>> -> memref<4x128xi32, #tpu.memory_space<hbm>>
      tpu.wait_dma2 semaphore(%run_scoped3A : memref<!tpu.dma_semaphore, #tpu.memory_space<semaphore_mem>>) src(%dma_wait3A_123 : memref<4x128xi32, #tpu.memory_space<hbm>>) dst(%arg8 : memref<4x128xi32, #tpu.memory_space<vmem>>)
      tpu.yield
    }) : () -> ()
    %mul3A_3 = arith.constant 512 : i32
    %mul3A_4 = arith.muli %arg1, %mul3A_3 : i32
    "tpu.region"() ({
      %run_scoped3A = tpu.sem_alloc : memref<!tpu.dma_semaphore, #tpu.memory_space<semaphore_mem>>
      %dma_start3A_108 = arith.constant 0 : i32
      %dma_start3A_109 = tpu.memref_slice %arg17[%mul3A_4, %dma_start3A_108] : memref<8192x64xf32, #tpu.memory_space<vmem_shared>> -> memref<512x64xf32, #tpu.memory_space<vmem_shared>>
      tpu.enqueue_dma source(%arg5 : memref<512x64xf32, #tpu.memory_space<hbm>>) target(%dma_start3A_109 : memref<512x64xf32, #tpu.memory_space<vmem_shared>>) target_semaphore(%run_scoped3A : memref<!tpu.dma_semaphore, #tpu.memory_space<semaphore_mem>>)
      %dma_wait3A_110 = arith.constant 0 : i32
      %dma_wait3A_111 = tpu.memref_slice %arg17[%mul3A_4, %dma_wait3A_110] : memref<8192x64xf32, #tpu.memory_space<vmem_shared>> -> memref<512x64xf32, #tpu.memory_space<vmem_shared>>
      tpu.wait_dma2 semaphore(%run_scoped3A : memref<!tpu.dma_semaphore, #tpu.memory_space<semaphore_mem>>) src(%arg5 : memref<512x64xf32, #tpu.memory_space<hbm>>) dst(%dma_wait3A_111 : memref<512x64xf32, #tpu.memory_space<vmem_shared>>)
      tpu.yield
    }) : () -> ()
    %dma_start3A = arith.constant 0 : i32
    %dma_start3A_5 = arith.constant 0 : i32
    %dma_start3A_6 = tpu.memref_slice %arg7[%dma_start3A, %dma_start3A_5] : memref<50x512xi32, #tpu.memory_space<vmem>> -> memref<1x128xi32, #tpu.memory_space<vmem>>
    %dma_start3A_7 = tpu.memref_squeeze %dma_start3A_6 : memref<1x128xi32, #tpu.memory_space<vmem>> -> memref<128xi32, #tpu.memory_space<vmem>>
    %dma_start3A_8 = arith.constant 0 : i32
    %dma_start3A_9 = arith.constant 0 : i32
    %dma_start3A_10 = tpu.memref_slice %arg3[%dma_start3A_8, %dma_start3A_9] : memref<1000000x64xf32, #tpu.memory_space<hbm>> -> memref<1000000x64xf32, #tpu.memory_space<hbm>>
    tpu.enqueue_indirect_dma source(%dma_start3A_10 : memref<1000000x64xf32, #tpu.memory_space<hbm>>) target(%arg9 : memref<128x64xf32, #tpu.memory_space<vmem>>) offsets(%dma_start3A_7 : memref<128xi32, #tpu.memory_space<vmem>>) semaphore(%arg18 : memref<!tpu.dma_semaphore, #tpu.memory_space<semaphore_mem>>)
    %dma_start3A_11 = arith.constant 1 : i32
    %dma_start3A_12 = arith.constant 0 : i32
    %dma_start3A_13 = tpu.memref_slice %arg7[%dma_start3A_11, %dma_start3A_12] : memref<50x512xi32, #tpu.memory_space<vmem>> -> memref<1x128xi32, #tpu.memory_space<vmem>>
    %dma_start3A_14 = tpu.memref_squeeze %dma_start3A_13 : memref<1x128xi32, #tpu.memory_space<vmem>> -> memref<128xi32, #tpu.memory_space<vmem>>
    %dma_start3A_15 = arith.constant 0 : i32
    %dma_start3A_16 = arith.constant 0 : i32
    %dma_start3A_17 = tpu.memref_slice %arg3[%dma_start3A_15, %dma_start3A_16] : memref<1000000x64xf32, #tpu.memory_space<hbm>> -> memref<1000000x64xf32, #tpu.memory_space<hbm>>
    tpu.enqueue_indirect_dma source(%dma_start3A_17 : memref<1000000x64xf32, #tpu.memory_space<hbm>>) target(%arg10 : memref<128x64xf32, #tpu.memory_space<vmem>>) offsets(%dma_start3A_14 : memref<128xi32, #tpu.memory_space<vmem>>) semaphore(%arg19 : memref<!tpu.dma_semaphore, #tpu.memory_space<semaphore_mem>>)
    %dma_start3A_18 = arith.constant 2 : i32
    %dma_start3A_19 = arith.constant 0 : i32
    %dma_start3A_20 = tpu.memref_slice %arg7[%dma_start3A_18, %dma_start3A_19] : memref<50x512xi32, #tpu.memory_space<vmem>> -> memref<1x128xi32, #tpu.memory_space<vmem>>
    %dma_start3A_21 = tpu.memref_squeeze %dma_start3A_20 : memref<1x128xi32, #tpu.memory_space<vmem>> -> memref<128xi32, #tpu.memory_space<vmem>>
    %dma_start3A_22 = arith.constant 0 : i32
    %dma_start3A_23 = arith.constant 0 : i32
    %dma_start3A_24 = tpu.memref_slice %arg3[%dma_start3A_22, %dma_start3A_23] : memref<1000000x64xf32, #tpu.memory_space<hbm>> -> memref<1000000x64xf32, #tpu.memory_space<hbm>>
    tpu.enqueue_indirect_dma source(%dma_start3A_24 : memref<1000000x64xf32, #tpu.memory_space<hbm>>) target(%arg11 : memref<128x64xf32, #tpu.memory_space<vmem>>) offsets(%dma_start3A_21 : memref<128xi32, #tpu.memory_space<vmem>>) semaphore(%arg20 : memref<!tpu.dma_semaphore, #tpu.memory_space<semaphore_mem>>)
    %dma_start3A_25 = arith.constant 3 : i32
    %dma_start3A_26 = arith.constant 0 : i32
    %dma_start3A_27 = tpu.memref_slice %arg7[%dma_start3A_25, %dma_start3A_26] : memref<50x512xi32, #tpu.memory_space<vmem>> -> memref<1x128xi32, #tpu.memory_space<vmem>>
    %dma_start3A_28 = tpu.memref_squeeze %dma_start3A_27 : memref<1x128xi32, #tpu.memory_space<vmem>> -> memref<128xi32, #tpu.memory_space<vmem>>
    %dma_start3A_29 = arith.constant 0 : i32
    %dma_start3A_30 = arith.constant 0 : i32
    %dma_start3A_31 = tpu.memref_slice %arg3[%dma_start3A_29, %dma_start3A_30] : memref<1000000x64xf32, #tpu.memory_space<hbm>> -> memref<1000000x64xf32, #tpu.memory_space<hbm>>
    tpu.enqueue_indirect_dma source(%dma_start3A_31 : memref<1000000x64xf32, #tpu.memory_space<hbm>>) target(%arg12 : memref<128x64xf32, #tpu.memory_space<vmem>>) offsets(%dma_start3A_28 : memref<128xi32, #tpu.memory_space<vmem>>) semaphore(%arg21 : memref<!tpu.dma_semaphore, #tpu.memory_space<semaphore_mem>>)
    %dma_start3A_32 = arith.constant 4 : i32
    %dma_start3A_33 = arith.constant 0 : i32
    %dma_start3A_34 = tpu.memref_slice %arg7[%dma_start3A_32, %dma_start3A_33] : memref<50x512xi32, #tpu.memory_space<vmem>> -> memref<1x128xi32, #tpu.memory_space<vmem>>
    %dma_start3A_35 = tpu.memref_squeeze %dma_start3A_34 : memref<1x128xi32, #tpu.memory_space<vmem>> -> memref<128xi32, #tpu.memory_space<vmem>>
    %dma_start3A_36 = arith.constant 0 : i32
    %dma_start3A_37 = arith.constant 0 : i32
    %dma_start3A_38 = tpu.memref_slice %arg3[%dma_start3A_36, %dma_start3A_37] : memref<1000000x64xf32, #tpu.memory_space<hbm>> -> memref<1000000x64xf32, #tpu.memory_space<hbm>>
    tpu.enqueue_indirect_dma source(%dma_start3A_38 : memref<1000000x64xf32, #tpu.memory_space<hbm>>) target(%arg13 : memref<128x64xf32, #tpu.memory_space<vmem>>) offsets(%dma_start3A_35 : memref<128xi32, #tpu.memory_space<vmem>>) semaphore(%arg22 : memref<!tpu.dma_semaphore, #tpu.memory_space<semaphore_mem>>)
    %dma_start3A_39 = arith.constant 5 : i32
    %dma_start3A_40 = arith.constant 0 : i32
    %dma_start3A_41 = tpu.memref_slice %arg7[%dma_start3A_39, %dma_start3A_40] : memref<50x512xi32, #tpu.memory_space<vmem>> -> memref<1x128xi32, #tpu.memory_space<vmem>>
    %dma_start3A_42 = tpu.memref_squeeze %dma_start3A_41 : memref<1x128xi32, #tpu.memory_space<vmem>> -> memref<128xi32, #tpu.memory_space<vmem>>
    %dma_start3A_43 = arith.constant 0 : i32
    %dma_start3A_44 = arith.constant 0 : i32
    %dma_start3A_45 = tpu.memref_slice %arg3[%dma_start3A_43, %dma_start3A_44] : memref<1000000x64xf32, #tpu.memory_space<hbm>> -> memref<1000000x64xf32, #tpu.memory_space<hbm>>
    tpu.enqueue_indirect_dma source(%dma_start3A_45 : memref<1000000x64xf32, #tpu.memory_space<hbm>>) target(%arg14 : memref<128x64xf32, #tpu.memory_space<vmem>>) offsets(%dma_start3A_42 : memref<128xi32, #tpu.memory_space<vmem>>) semaphore(%arg23 : memref<!tpu.dma_semaphore, #tpu.memory_space<semaphore_mem>>)
    %dma_start3A_46 = arith.constant 6 : i32
    %dma_start3A_47 = arith.constant 0 : i32
    %dma_start3A_48 = tpu.memref_slice %arg7[%dma_start3A_46, %dma_start3A_47] : memref<50x512xi32, #tpu.memory_space<vmem>> -> memref<1x128xi32, #tpu.memory_space<vmem>>
    %dma_start3A_49 = tpu.memref_squeeze %dma_start3A_48 : memref<1x128xi32, #tpu.memory_space<vmem>> -> memref<128xi32, #tpu.memory_space<vmem>>
    %dma_start3A_50 = arith.constant 0 : i32
    %dma_start3A_51 = arith.constant 0 : i32
    %dma_start3A_52 = tpu.memref_slice %arg3[%dma_start3A_50, %dma_start3A_51] : memref<1000000x64xf32, #tpu.memory_space<hbm>> -> memref<1000000x64xf32, #tpu.memory_space<hbm>>
    tpu.enqueue_indirect_dma source(%dma_start3A_52 : memref<1000000x64xf32, #tpu.memory_space<hbm>>) target(%arg15 : memref<128x64xf32, #tpu.memory_space<vmem>>) offsets(%dma_start3A_49 : memref<128xi32, #tpu.memory_space<vmem>>) semaphore(%arg24 : memref<!tpu.dma_semaphore, #tpu.memory_space<semaphore_mem>>)
    %scan3A = arith.constant 0 : i32
    %scan3A_53 = arith.constant 25 : i32
    %scan3A_54 = arith.addi %scan3A, %scan3A_53 : i32
    %scan3A_55 = arith.constant 1 : i32
    scf.for %scan3A_108 = %scan3A to %scan3A_54 step %scan3A_55  : i32 {
      %mul3A_109 = arith.constant 8 : i32
      %mul3A_110 = arith.muli %scan3A_108, %mul3A_109 : i32
      %add3A_111 = arith.constant 0 : i32
      %add3A_112 = arith.addi %add3A_111, %mul3A_110 : i32
      %add3A_113 = arith.constant 0 : i32
      %add3A_114 = arith.addi %add3A_112, %add3A_113 : i32
      %jit3A = arith.constant 50 : i32
      %div3A = arith.divsi %add3A_114, %jit3A : i32
      %sign3A = arith.constant 0 : i32
      %sign3A_115 = arith.cmpi sgt, %add3A_114, %sign3A : i32
      %sign3A_116 = arith.extui %sign3A_115 : i1 to i32
      %sign3A_117 = arith.constant 0 : i32
      %sign3A_118 = arith.cmpi slt, %add3A_114, %sign3A_117 : i32
      %sign3A_119 = arith.extui %sign3A_118 : i1 to i32
      %sign3A_120 = arith.subi %sign3A_116, %sign3A_119 : i32
      %sign3A_121 = arith.constant 0 : i32
      %sign3A_122 = arith.cmpi sgt, %jit3A, %sign3A_121 : i32
      %sign3A_123 = arith.extui %sign3A_122 : i1 to i32
      %sign3A_124 = arith.constant 0 : i32
      %sign3A_125 = arith.cmpi slt, %jit3A, %sign3A_124 : i32
      %sign3A_126 = arith.extui %sign3A_125 : i1 to i32
      %sign3A_127 = arith.subi %sign3A_123, %sign3A_126 : i32
      %ne3A = arith.cmpi ne, %sign3A_120, %sign3A_127 : i32
      %rem3A = arith.remsi %add3A_114, %jit3A : i32
      %ne3A_128 = arith.constant 0 : i32
      %ne3A_129 = arith.cmpi ne, %rem3A, %ne3A_128 : i32
      %and3A = arith.andi %ne3A, %ne3A_129 : i1
      %sub3A = arith.constant 1 : i32
      %sub3A_130 = arith.subi %div3A, %sub3A : i32
      %select_n3A = arith.select %and3A, %sub3A_130, %div3A : i32
      %mul3A_131 = arith.constant 50 : i32
      %mul3A_132 = arith.muli %select_n3A, %mul3A_131 : i32
      %sub3A_133 = arith.subi %add3A_114, %mul3A_132 : i32
      %mul3A_134 = arith.constant 128 : i32
      %mul3A_135 = arith.muli %select_n3A, %mul3A_134 : i32
      %dma_wait3A_136 = tpu.memref_slice %arg7[%sub3A_133, %mul3A_135] : memref<50x512xi32, #tpu.memory_space<vmem>> -> memref<1x128xi32, #tpu.memory_space<vmem>>
      %dma_wait3A_137 = tpu.memref_squeeze %dma_wait3A_136 : memref<1x128xi32, #tpu.memory_space<vmem>> -> memref<128xi32, #tpu.memory_space<vmem>>
      %dma_wait3A_138 = arith.constant 0 : i32
      %dma_wait3A_139 = arith.constant 0 : i32
      %dma_wait3A_140 = tpu.memref_slice %arg3[%dma_wait3A_138, %dma_wait3A_139] : memref<1000000x64xf32, #tpu.memory_space<hbm>> -> memref<1000000x64xf32, #tpu.memory_space<hbm>>
      tpu.wait_indirect_dma semaphore(%arg18 : memref<!tpu.dma_semaphore, #tpu.memory_space<semaphore_mem>>) src(%dma_wait3A_140 : memref<1000000x64xf32, #tpu.memory_space<hbm>>) dst(%arg9 : memref<128x64xf32, #tpu.memory_space<vmem>>)
      %add3A_141 = arith.constant 0 : i32
      %add3A_142 = arith.addi %add3A_112, %add3A_141 : i32
      %jit3A_143 = arith.constant 50 : i32
      %div3A_144 = arith.divsi %add3A_142, %jit3A_143 : i32
      %sign3A_145 = arith.constant 0 : i32
      %sign3A_146 = arith.cmpi sgt, %add3A_142, %sign3A_145 : i32
      %sign3A_147 = arith.extui %sign3A_146 : i1 to i32
      %sign3A_148 = arith.constant 0 : i32
      %sign3A_149 = arith.cmpi slt, %add3A_142, %sign3A_148 : i32
      %sign3A_150 = arith.extui %sign3A_149 : i1 to i32
      %sign3A_151 = arith.subi %sign3A_147, %sign3A_150 : i32
      %sign3A_152 = arith.constant 0 : i32
      %sign3A_153 = arith.cmpi sgt, %jit3A_143, %sign3A_152 : i32
      %sign3A_154 = arith.extui %sign3A_153 : i1 to i32
      %sign3A_155 = arith.constant 0 : i32
      %sign3A_156 = arith.cmpi slt, %jit3A_143, %sign3A_155 : i32
      %sign3A_157 = arith.extui %sign3A_156 : i1 to i32
      %sign3A_158 = arith.subi %sign3A_154, %sign3A_157 : i32
      %ne3A_159 = arith.cmpi ne, %sign3A_151, %sign3A_158 : i32
      %rem3A_160 = arith.remsi %add3A_142, %jit3A_143 : i32
      %ne3A_161 = arith.constant 0 : i32
      %ne3A_162 = arith.cmpi ne, %rem3A_160, %ne3A_161 : i32
      %and3A_163 = arith.andi %ne3A_159, %ne3A_162 : i1
      %sub3A_164 = arith.constant 1 : i32
      %sub3A_165 = arith.subi %div3A_144, %sub3A_164 : i32
      %select_n3A_166 = arith.select %and3A_163, %sub3A_165, %div3A_144 : i32
      %dma_start3A_167 = arith.constant 0 : i32
      %dma_start3A_168 = tpu.memref_slice %arg8[%select_n3A_166, %dma_start3A_167] : memref<4x128xi32, #tpu.memory_space<vmem>> -> memref<1x128xi32, #tpu.memory_space<vmem>>
      %dma_start3A_169 = tpu.memref_squeeze %dma_start3A_168 : memref<1x128xi32, #tpu.memory_space<vmem>> -> memref<128xi32, #tpu.memory_space<vmem>>
      %dma_start3A_170 = arith.constant 0 : i32
      %dma_start3A_171 = arith.constant 0 : i32
      %dma_start3A_172 = tpu.memref_slice %arg17[%dma_start3A_170, %dma_start3A_171] : memref<8192x64xf32, #tpu.memory_space<vmem_shared>> -> memref<8192x64xf32, #tpu.memory_space<vmem_shared>>
      tpu.enqueue_indirect_dma source(%arg9 : memref<128x64xf32, #tpu.memory_space<vmem>>) target(%dma_start3A_172 : memref<8192x64xf32, #tpu.memory_space<vmem_shared>>) offsets(%dma_start3A_169 : memref<128xi32, #tpu.memory_space<vmem>>) semaphore(%arg26 : memref<!tpu.dma_semaphore, #tpu.memory_space<semaphore_mem>>) {add = true}
      %add3A_173 = arith.constant 0 : i32
      %add3A_174 = arith.addi %add3A_112, %add3A_173 : i32
      %add3A_175 = arith.constant 8 : i32
      %add3A_176 = arith.addi %add3A_174, %add3A_175 : i32
      %sub3A_177 = arith.constant 1 : i32
      %sub3A_178 = arith.subi %add3A_176, %sub3A_177 : i32
      %lt3A = arith.constant 200 : i32
      %lt3A_179 = arith.cmpi slt, %sub3A_178, %lt3A : i32
      %convert_element_type3A = arith.extui %lt3A_179 : i1 to i32
      %cond3A = arith.constant 0 : i32
      %cond3A_180 = arith.cmpi ne, %convert_element_type3A, %cond3A : i32
      scf.if %cond3A_180 {
        %add3A_734 = arith.constant 0 : i32
        %add3A_735 = arith.addi %add3A_112, %add3A_734 : i32
        %gt3A = arith.constant 0 : i32
        %gt3A_736 = arith.cmpi sgt, %add3A_735, %gt3A : i32
        %convert_element_type3A_737 = arith.extui %gt3A_736 : i1 to i32
        %cond3A_738 = arith.constant 0 : i32
        %cond3A_739 = arith.cmpi ne, %convert_element_type3A_737, %cond3A_738 : i32
        scf.if %cond3A_739 {
          %mul3A_780 = arith.constant 512 : i32
          %mul3A_781 = arith.muli %arg1, %mul3A_780 : i32
          %dma_wait3A_782 = arith.constant 0 : i32
          %dma_wait3A_783 = tpu.memref_slice %arg17[%mul3A_781, %dma_wait3A_782] : memref<8192x64xf32, #tpu.memory_space<vmem_shared>> -> memref<128x64xf32, #tpu.memory_space<vmem_shared>>
          %dma_wait3A_784 = arith.constant 0 : i32
          %dma_wait3A_785 = tpu.memref_slice %arg17[%mul3A_781, %dma_wait3A_784] : memref<8192x64xf32, #tpu.memory_space<vmem_shared>> -> memref<128x64xf32, #tpu.memory_space<vmem_shared>>
          tpu.wait_dma2 semaphore(%arg33 : memref<!tpu.dma_semaphore, #tpu.memory_space<semaphore_mem>>) src(%arg16 : memref<128x64xf32, #tpu.memory_space<vmem>>) dst(%dma_wait3A_785 : memref<128x64xf32, #tpu.memory_space<vmem_shared>>)
        } else {
        }
        %add3A_740 = arith.constant 0 : i32
        %add3A_741 = arith.addi %add3A_112, %add3A_740 : i32
        %add3A_742 = arith.constant 8 : i32
        %add3A_743 = arith.addi %add3A_741, %add3A_742 : i32
        %sub3A_744 = arith.constant 1 : i32
        %sub3A_745 = arith.subi %add3A_743, %sub3A_744 : i32
        %jit3A_746 = arith.constant 50 : i32
        %div3A_747 = arith.divsi %sub3A_745, %jit3A_746 : i32
        %sign3A_748 = arith.constant 0 : i32
        %sign3A_749 = arith.cmpi sgt, %sub3A_745, %sign3A_748 : i32
        %sign3A_750 = arith.extui %sign3A_749 : i1 to i32
        %sign3A_751 = arith.constant 0 : i32
        %sign3A_752 = arith.cmpi slt, %sub3A_745, %sign3A_751 : i32
        %sign3A_753 = arith.extui %sign3A_752 : i1 to i32
        %sign3A_754 = arith.subi %sign3A_750, %sign3A_753 : i32
        %sign3A_755 = arith.constant 0 : i32
        %sign3A_756 = arith.cmpi sgt, %jit3A_746, %sign3A_755 : i32
        %sign3A_757 = arith.extui %sign3A_756 : i1 to i32
        %sign3A_758 = arith.constant 0 : i32
        %sign3A_759 = arith.cmpi slt, %jit3A_746, %sign3A_758 : i32
        %sign3A_760 = arith.extui %sign3A_759 : i1 to i32
        %sign3A_761 = arith.subi %sign3A_757, %sign3A_760 : i32
        %ne3A_762 = arith.cmpi ne, %sign3A_754, %sign3A_761 : i32
        %rem3A_763 = arith.remsi %sub3A_745, %jit3A_746 : i32
        %ne3A_764 = arith.constant 0 : i32
        %ne3A_765 = arith.cmpi ne, %rem3A_763, %ne3A_764 : i32
        %and3A_766 = arith.andi %ne3A_762, %ne3A_765 : i1
        %sub3A_767 = arith.constant 1 : i32
        %sub3A_768 = arith.subi %div3A_747, %sub3A_767 : i32
        %select_n3A_769 = arith.select %and3A_766, %sub3A_768, %div3A_747 : i32
        %mul3A_770 = arith.constant 50 : i32
        %mul3A_771 = arith.muli %select_n3A_769, %mul3A_770 : i32
        %sub3A_772 = arith.subi %sub3A_745, %mul3A_771 : i32
        %mul3A_773 = arith.constant 128 : i32
        %mul3A_774 = arith.muli %select_n3A_769, %mul3A_773 : i32
        %dma_start3A_775 = tpu.memref_slice %arg7[%sub3A_772, %mul3A_774] : memref<50x512xi32, #tpu.memory_space<vmem>> -> memref<1x128xi32, #tpu.memory_space<vmem>>
        %dma_start3A_776 = tpu.memref_squeeze %dma_start3A_775 : memref<1x128xi32, #tpu.memory_space<vmem>> -> memref<128xi32, #tpu.memory_space<vmem>>
        %dma_start3A_777 = arith.constant 0 : i32
        %dma_start3A_778 = arith.constant 0 : i32
        %dma_start3A_779 = tpu.memref_slice %arg3[%dma_start3A_777, %dma_start3A_778] : memref<1000000x64xf32, #tpu.memory_space<hbm>> -> memref<1000000x64xf32, #tpu.memory_space<hbm>>
        tpu.enqueue_indirect_dma source(%dma_start3A_779 : memref<1000000x64xf32, #tpu.memory_space<hbm>>) target(%arg16 : memref<128x64xf32, #tpu.memory_space<vmem>>) offsets(%dma_start3A_776 : memref<128xi32, #tpu.memory_space<vmem>>) semaphore(%arg25 : memref<!tpu.dma_semaphore, #tpu.memory_space<semaphore_mem>>)
      } else {
      }
      %add3A_181 = arith.constant 1 : i32
      %add3A_182 = arith.addi %add3A_112, %add3A_181 : i32
      %jit3A_183 = arith.constant 50 : i32
      %div3A_184 = arith.divsi %add3A_182, %jit3A_183 : i32
      %sign3A_185 = arith.constant 0 : i32
      %sign3A_186 = arith.cmpi sgt, %add3A_182, %sign3A_185 : i32
      %sign3A_187 = arith.extui %sign3A_186 : i1 to i32
      %sign3A_188 = arith.constant 0 : i32
      %sign3A_189 = arith.cmpi slt, %add3A_182, %sign3A_188 : i32
      %sign3A_190 = arith.extui %sign3A_189 : i1 to i32
      %sign3A_191 = arith.subi %sign3A_187, %sign3A_190 : i32
      %sign3A_192 = arith.constant 0 : i32
      %sign3A_193 = arith.cmpi sgt, %jit3A_183, %sign3A_192 : i32
      %sign3A_194 = arith.extui %sign3A_193 : i1 to i32
      %sign3A_195 = arith.constant 0 : i32
      %sign3A_196 = arith.cmpi slt, %jit3A_183, %sign3A_195 : i32
      %sign3A_197 = arith.extui %sign3A_196 : i1 to i32
      %sign3A_198 = arith.subi %sign3A_194, %sign3A_197 : i32
      %ne3A_199 = arith.cmpi ne, %sign3A_191, %sign3A_198 : i32
      %rem3A_200 = arith.remsi %add3A_182, %jit3A_183 : i32
      %ne3A_201 = arith.constant 0 : i32
      %ne3A_202 = arith.cmpi ne, %rem3A_200, %ne3A_201 : i32
      %and3A_203 = arith.andi %ne3A_199, %ne3A_202 : i1
      %sub3A_204 = arith.constant 1 : i32
      %sub3A_205 = arith.subi %div3A_184, %sub3A_204 : i32
      %select_n3A_206 = arith.select %and3A_203, %sub3A_205, %div3A_184 : i32
      %mul3A_207 = arith.constant 50 : i32
      %mul3A_208 = arith.muli %select_n3A_206, %mul3A_207 : i32
      %sub3A_209 = arith.subi %add3A_182, %mul3A_208 : i32
      %mul3A_210 = arith.constant 128 : i32
      %mul3A_211 = arith.muli %select_n3A_206, %mul3A_210 : i32
      %dma_wait3A_212 = tpu.memref_slice %arg7[%sub3A_209, %mul3A_211] : memref<50x512xi32, #tpu.memory_space<vmem>> -> memref<1x128xi32, #tpu.memory_space<vmem>>
      %dma_wait3A_213 = tpu.memref_squeeze %dma_wait3A_212 : memref<1x128xi32, #tpu.memory_space<vmem>> -> memref<128xi32, #tpu.memory_space<vmem>>
      %dma_wait3A_214 = arith.constant 0 : i32
      %dma_wait3A_215 = arith.constant 0 : i32
      %dma_wait3A_216 = tpu.memref_slice %arg3[%dma_wait3A_214, %dma_wait3A_215] : memref<1000000x64xf32, #tpu.memory_space<hbm>> -> memref<1000000x64xf32, #tpu.memory_space<hbm>>
      tpu.wait_indirect_dma semaphore(%arg19 : memref<!tpu.dma_semaphore, #tpu.memory_space<semaphore_mem>>) src(%dma_wait3A_216 : memref<1000000x64xf32, #tpu.memory_space<hbm>>) dst(%arg10 : memref<128x64xf32, #tpu.memory_space<vmem>>)
      %add3A_217 = arith.constant 1 : i32
      %add3A_218 = arith.addi %add3A_112, %add3A_217 : i32
      %jit3A_219 = arith.constant 50 : i32
      %div3A_220 = arith.divsi %add3A_218, %jit3A_219 : i32
      %sign3A_221 = arith.constant 0 : i32
      %sign3A_222 = arith.cmpi sgt, %add3A_218, %sign3A_221 : i32
      %sign3A_223 = arith.extui %sign3A_222 : i1 to i32
      %sign3A_224 = arith.constant 0 : i32
      %sign3A_225 = arith.cmpi slt, %add3A_218, %sign3A_224 : i32
      %sign3A_226 = arith.extui %sign3A_225 : i1 to i32
      %sign3A_227 = arith.subi %sign3A_223, %sign3A_226 : i32
      %sign3A_228 = arith.constant 0 : i32
      %sign3A_229 = arith.cmpi sgt, %jit3A_219, %sign3A_228 : i32
      %sign3A_230 = arith.extui %sign3A_229 : i1 to i32
      %sign3A_231 = arith.constant 0 : i32
      %sign3A_232 = arith.cmpi slt, %jit3A_219, %sign3A_231 : i32
      %sign3A_233 = arith.extui %sign3A_232 : i1 to i32
      %sign3A_234 = arith.subi %sign3A_230, %sign3A_233 : i32
      %ne3A_235 = arith.cmpi ne, %sign3A_227, %sign3A_234 : i32
      %rem3A_236 = arith.remsi %add3A_218, %jit3A_219 : i32
      %ne3A_237 = arith.constant 0 : i32
      %ne3A_238 = arith.cmpi ne, %rem3A_236, %ne3A_237 : i32
      %and3A_239 = arith.andi %ne3A_235, %ne3A_238 : i1
      %sub3A_240 = arith.constant 1 : i32
      %sub3A_241 = arith.subi %div3A_220, %sub3A_240 : i32
      %select_n3A_242 = arith.select %and3A_239, %sub3A_241, %div3A_220 : i32
      %dma_start3A_243 = arith.constant 0 : i32
      %dma_start3A_244 = tpu.memref_slice %arg8[%select_n3A_242, %dma_start3A_243] : memref<4x128xi32, #tpu.memory_space<vmem>> -> memref<1x128xi32, #tpu.memory_space<vmem>>
      %dma_start3A_245 = tpu.memref_squeeze %dma_start3A_244 : memref<1x128xi32, #tpu.memory_space<vmem>> -> memref<128xi32, #tpu.memory_space<vmem>>
      %dma_start3A_246 = arith.constant 0 : i32
      %dma_start3A_247 = arith.constant 0 : i32
      %dma_start3A_248 = tpu.memref_slice %arg17[%dma_start3A_246, %dma_start3A_247] : memref<8192x64xf32, #tpu.memory_space<vmem_shared>> -> memref<8192x64xf32, #tpu.memory_space<vmem_shared>>
      tpu.enqueue_indirect_dma source(%arg10 : memref<128x64xf32, #tpu.memory_space<vmem>>) target(%dma_start3A_248 : memref<8192x64xf32, #tpu.memory_space<vmem_shared>>) offsets(%dma_start3A_245 : memref<128xi32, #tpu.memory_space<vmem>>) semaphore(%arg27 : memref<!tpu.dma_semaphore, #tpu.memory_space<semaphore_mem>>) {add = true}
      %add3A_249 = arith.constant 1 : i32
      %add3A_250 = arith.addi %add3A_112, %add3A_249 : i32
      %add3A_251 = arith.constant 8 : i32
      %add3A_252 = arith.addi %add3A_250, %add3A_251 : i32
      %sub3A_253 = arith.constant 1 : i32
      %sub3A_254 = arith.subi %add3A_252, %sub3A_253 : i32
      %lt3A_255 = arith.constant 200 : i32
      %lt3A_256 = arith.cmpi slt, %sub3A_254, %lt3A_255 : i32
      %convert_element_type3A_257 = arith.extui %lt3A_256 : i1 to i32
      %cond3A_258 = arith.constant 0 : i32
      %cond3A_259 = arith.cmpi ne, %convert_element_type3A_257, %cond3A_258 : i32
      scf.if %cond3A_259 {
        %add3A_734 = arith.constant 1 : i32
        %add3A_735 = arith.addi %add3A_112, %add3A_734 : i32
        %gt3A = arith.constant 0 : i32
        %gt3A_736 = arith.cmpi sgt, %add3A_735, %gt3A : i32
        %convert_element_type3A_737 = arith.extui %gt3A_736 : i1 to i32
        %cond3A_738 = arith.constant 0 : i32
        %cond3A_739 = arith.cmpi ne, %convert_element_type3A_737, %cond3A_738 : i32
        scf.if %cond3A_739 {
          %mul3A_780 = arith.constant 512 : i32
          %mul3A_781 = arith.muli %arg1, %mul3A_780 : i32
          %dma_wait3A_782 = arith.constant 0 : i32
          %dma_wait3A_783 = tpu.memref_slice %arg17[%mul3A_781, %dma_wait3A_782] : memref<8192x64xf32, #tpu.memory_space<vmem_shared>> -> memref<128x64xf32, #tpu.memory_space<vmem_shared>>
          %dma_wait3A_784 = arith.constant 0 : i32
          %dma_wait3A_785 = tpu.memref_slice %arg17[%mul3A_781, %dma_wait3A_784] : memref<8192x64xf32, #tpu.memory_space<vmem_shared>> -> memref<128x64xf32, #tpu.memory_space<vmem_shared>>
          tpu.wait_dma2 semaphore(%arg26 : memref<!tpu.dma_semaphore, #tpu.memory_space<semaphore_mem>>) src(%arg9 : memref<128x64xf32, #tpu.memory_space<vmem>>) dst(%dma_wait3A_785 : memref<128x64xf32, #tpu.memory_space<vmem_shared>>)
        } else {
        }
        %add3A_740 = arith.constant 1 : i32
        %add3A_741 = arith.addi %add3A_112, %add3A_740 : i32
        %add3A_742 = arith.constant 8 : i32
        %add3A_743 = arith.addi %add3A_741, %add3A_742 : i32
        %sub3A_744 = arith.constant 1 : i32
        %sub3A_745 = arith.subi %add3A_743, %sub3A_744 : i32
        %jit3A_746 = arith.constant 50 : i32
        %div3A_747 = arith.divsi %sub3A_745, %jit3A_746 : i32
        %sign3A_748 = arith.constant 0 : i32
        %sign3A_749 = arith.cmpi sgt, %sub3A_745, %sign3A_748 : i32
        %sign3A_750 = arith.extui %sign3A_749 : i1 to i32
        %sign3A_751 = arith.constant 0 : i32
        %sign3A_752 = arith.cmpi slt, %sub3A_745, %sign3A_751 : i32
        %sign3A_753 = arith.extui %sign3A_752 : i1 to i32
        %sign3A_754 = arith.subi %sign3A_750, %sign3A_753 : i32
        %sign3A_755 = arith.constant 0 : i32
        %sign3A_756 = arith.cmpi sgt, %jit3A_746, %sign3A_755 : i32
        %sign3A_757 = arith.extui %sign3A_756 : i1 to i32
        %sign3A_758 = arith.constant 0 : i32
        %sign3A_759 = arith.cmpi slt, %jit3A_746, %sign3A_758 : i32
        %sign3A_760 = arith.extui %sign3A_759 : i1 to i32
        %sign3A_761 = arith.subi %sign3A_757, %sign3A_760 : i32
        %ne3A_762 = arith.cmpi ne, %sign3A_754, %sign3A_761 : i32
        %rem3A_763 = arith.remsi %sub3A_745, %jit3A_746 : i32
        %ne3A_764 = arith.constant 0 : i32
        %ne3A_765 = arith.cmpi ne, %rem3A_763, %ne3A_764 : i32
        %and3A_766 = arith.andi %ne3A_762, %ne3A_765 : i1
        %sub3A_767 = arith.constant 1 : i32
        %sub3A_768 = arith.subi %div3A_747, %sub3A_767 : i32
        %select_n3A_769 = arith.select %and3A_766, %sub3A_768, %div3A_747 : i32
        %mul3A_770 = arith.constant 50 : i32
        %mul3A_771 = arith.muli %select_n3A_769, %mul3A_770 : i32
        %sub3A_772 = arith.subi %sub3A_745, %mul3A_771 : i32
        %mul3A_773 = arith.constant 128 : i32
        %mul3A_774 = arith.muli %select_n3A_769, %mul3A_773 : i32
        %dma_start3A_775 = tpu.memref_slice %arg7[%sub3A_772, %mul3A_774] : memref<50x512xi32, #tpu.memory_space<vmem>> -> memref<1x128xi32, #tpu.memory_space<vmem>>
        %dma_start3A_776 = tpu.memref_squeeze %dma_start3A_775 : memref<1x128xi32, #tpu.memory_space<vmem>> -> memref<128xi32, #tpu.memory_space<vmem>>
        %dma_start3A_777 = arith.constant 0 : i32
        %dma_start3A_778 = arith.constant 0 : i32
        %dma_start3A_779 = tpu.memref_slice %arg3[%dma_start3A_777, %dma_start3A_778] : memref<1000000x64xf32, #tpu.memory_space<hbm>> -> memref<1000000x64xf32, #tpu.memory_space<hbm>>
        tpu.enqueue_indirect_dma source(%dma_start3A_779 : memref<1000000x64xf32, #tpu.memory_space<hbm>>) target(%arg9 : memref<128x64xf32, #tpu.memory_space<vmem>>) offsets(%dma_start3A_776 : memref<128xi32, #tpu.memory_space<vmem>>) semaphore(%arg18 : memref<!tpu.dma_semaphore, #tpu.memory_space<semaphore_mem>>)
      } else {
      }
      %add3A_260 = arith.constant 2 : i32
      %add3A_261 = arith.addi %add3A_112, %add3A_260 : i32
      %jit3A_262 = arith.constant 50 : i32
      %div3A_263 = arith.divsi %add3A_261, %jit3A_262 : i32
      %sign3A_264 = arith.constant 0 : i32
      %sign3A_265 = arith.cmpi sgt, %add3A_261, %sign3A_264 : i32
      %sign3A_266 = arith.extui %sign3A_265 : i1 to i32
      %sign3A_267 = arith.constant 0 : i32
      %sign3A_268 = arith.cmpi slt, %add3A_261, %sign3A_267 : i32
      %sign3A_269 = arith.extui %sign3A_268 : i1 to i32
      %sign3A_270 = arith.subi %sign3A_266, %sign3A_269 : i32
      %sign3A_271 = arith.constant 0 : i32
      %sign3A_272 = arith.cmpi sgt, %jit3A_262, %sign3A_271 : i32
      %sign3A_273 = arith.extui %sign3A_272 : i1 to i32
      %sign3A_274 = arith.constant 0 : i32
      %sign3A_275 = arith.cmpi slt, %jit3A_262, %sign3A_274 : i32
      %sign3A_276 = arith.extui %sign3A_275 : i1 to i32
      %sign3A_277 = arith.subi %sign3A_273, %sign3A_276 : i32
      %ne3A_278 = arith.cmpi ne, %sign3A_270, %sign3A_277 : i32
      %rem3A_279 = arith.remsi %add3A_261, %jit3A_262 : i32
      %ne3A_280 = arith.constant 0 : i32
      %ne3A_281 = arith.cmpi ne, %rem3A_279, %ne3A_280 : i32
      %and3A_282 = arith.andi %ne3A_278, %ne3A_281 : i1
      %sub3A_283 = arith.constant 1 : i32
      %sub3A_284 = arith.subi %div3A_263, %sub3A_283 : i32
      %select_n3A_285 = arith.select %and3A_282, %sub3A_284, %div3A_263 : i32
      %mul3A_286 = arith.constant 50 : i32
      %mul3A_287 = arith.muli %select_n3A_285, %mul3A_286 : i32
      %sub3A_288 = arith.subi %add3A_261, %mul3A_287 : i32
      %mul3A_289 = arith.constant 128 : i32
      %mul3A_290 = arith.muli %select_n3A_285, %mul3A_289 : i32
      %dma_wait3A_291 = tpu.memref_slice %arg7[%sub3A_288, %mul3A_290] : memref<50x512xi32, #tpu.memory_space<vmem>> -> memref<1x128xi32, #tpu.memory_space<vmem>>
      %dma_wait3A_292 = tpu.memref_squeeze %dma_wait3A_291 : memref<1x128xi32, #tpu.memory_space<vmem>> -> memref<128xi32, #tpu.memory_space<vmem>>
      %dma_wait3A_293 = arith.constant 0 : i32
      %dma_wait3A_294 = arith.constant 0 : i32
      %dma_wait3A_295 = tpu.memref_slice %arg3[%dma_wait3A_293, %dma_wait3A_294] : memref<1000000x64xf32, #tpu.memory_space<hbm>> -> memref<1000000x64xf32, #tpu.memory_space<hbm>>
      tpu.wait_indirect_dma semaphore(%arg20 : memref<!tpu.dma_semaphore, #tpu.memory_space<semaphore_mem>>) src(%dma_wait3A_295 : memref<1000000x64xf32, #tpu.memory_space<hbm>>) dst(%arg11 : memref<128x64xf32, #tpu.memory_space<vmem>>)
      %add3A_296 = arith.constant 2 : i32
      %add3A_297 = arith.addi %add3A_112, %add3A_296 : i32
      %jit3A_298 = arith.constant 50 : i32
      %div3A_299 = arith.divsi %add3A_297, %jit3A_298 : i32
      %sign3A_300 = arith.constant 0 : i32
      %sign3A_301 = arith.cmpi sgt, %add3A_297, %sign3A_300 : i32
      %sign3A_302 = arith.extui %sign3A_301 : i1 to i32
      %sign3A_303 = arith.constant 0 : i32
      %sign3A_304 = arith.cmpi slt, %add3A_297, %sign3A_303 : i32
      %sign3A_305 = arith.extui %sign3A_304 : i1 to i32
      %sign3A_306 = arith.subi %sign3A_302, %sign3A_305 : i32
      %sign3A_307 = arith.constant 0 : i32
      %sign3A_308 = arith.cmpi sgt, %jit3A_298, %sign3A_307 : i32
      %sign3A_309 = arith.extui %sign3A_308 : i1 to i32
      %sign3A_310 = arith.constant 0 : i32
      %sign3A_311 = arith.cmpi slt, %jit3A_298, %sign3A_310 : i32
      %sign3A_312 = arith.extui %sign3A_311 : i1 to i32
      %sign3A_313 = arith.subi %sign3A_309, %sign3A_312 : i32
      %ne3A_314 = arith.cmpi ne, %sign3A_306, %sign3A_313 : i32
      %rem3A_315 = arith.remsi %add3A_297, %jit3A_298 : i32
      %ne3A_316 = arith.constant 0 : i32
      %ne3A_317 = arith.cmpi ne, %rem3A_315, %ne3A_316 : i32
      %and3A_318 = arith.andi %ne3A_314, %ne3A_317 : i1
      %sub3A_319 = arith.constant 1 : i32
      %sub3A_320 = arith.subi %div3A_299, %sub3A_319 : i32
      %select_n3A_321 = arith.select %and3A_318, %sub3A_320, %div3A_299 : i32
      %dma_start3A_322 = arith.constant 0 : i32
      %dma_start3A_323 = tpu.memref_slice %arg8[%select_n3A_321, %dma_start3A_322] : memref<4x128xi32, #tpu.memory_space<vmem>> -> memref<1x128xi32, #tpu.memory_space<vmem>>
      %dma_start3A_324 = tpu.memref_squeeze %dma_start3A_323 : memref<1x128xi32, #tpu.memory_space<vmem>> -> memref<128xi32, #tpu.memory_space<vmem>>
      %dma_start3A_325 = arith.constant 0 : i32
      %dma_start3A_326 = arith.constant 0 : i32
      %dma_start3A_327 = tpu.memref_slice %arg17[%dma_start3A_325, %dma_start3A_326] : memref<8192x64xf32, #tpu.memory_space<vmem_shared>> -> memref<8192x64xf32, #tpu.memory_space<vmem_shared>>
      tpu.enqueue_indirect_dma source(%arg11 : memref<128x64xf32, #tpu.memory_space<vmem>>) target(%dma_start3A_327 : memref<8192x64xf32, #tpu.memory_space<vmem_shared>>) offsets(%dma_start3A_324 : memref<128xi32, #tpu.memory_space<vmem>>) semaphore(%arg28 : memref<!tpu.dma_semaphore, #tpu.memory_space<semaphore_mem>>) {add = true}
      %add3A_328 = arith.constant 2 : i32
      %add3A_329 = arith.addi %add3A_112, %add3A_328 : i32
      %add3A_330 = arith.constant 8 : i32
      %add3A_331 = arith.addi %add3A_329, %add3A_330 : i32
      %sub3A_332 = arith.constant 1 : i32
      %sub3A_333 = arith.subi %add3A_331, %sub3A_332 : i32
      %lt3A_334 = arith.constant 200 : i32
      %lt3A_335 = arith.cmpi slt, %sub3A_333, %lt3A_334 : i32
      %convert_element_type3A_336 = arith.extui %lt3A_335 : i1 to i32
      %cond3A_337 = arith.constant 0 : i32
      %cond3A_338 = arith.cmpi ne, %convert_element_type3A_336, %cond3A_337 : i32
      scf.if %cond3A_338 {
        %add3A_734 = arith.constant 2 : i32
        %add3A_735 = arith.addi %add3A_112, %add3A_734 : i32
        %gt3A = arith.constant 0 : i32
        %gt3A_736 = arith.cmpi sgt, %add3A_735, %gt3A : i32
        %convert_element_type3A_737 = arith.extui %gt3A_736 : i1 to i32
        %cond3A_738 = arith.constant 0 : i32
        %cond3A_739 = arith.cmpi ne, %convert_element_type3A_737, %cond3A_738 : i32
        scf.if %cond3A_739 {
          %mul3A_780 = arith.constant 512 : i32
          %mul3A_781 = arith.muli %arg1, %mul3A_780 : i32
          %dma_wait3A_782 = arith.constant 0 : i32
          %dma_wait3A_783 = tpu.memref_slice %arg17[%mul3A_781, %dma_wait3A_782] : memref<8192x64xf32, #tpu.memory_space<vmem_shared>> -> memref<128x64xf32, #tpu.memory_space<vmem_shared>>
          %dma_wait3A_784 = arith.constant 0 : i32
          %dma_wait3A_785 = tpu.memref_slice %arg17[%mul3A_781, %dma_wait3A_784] : memref<8192x64xf32, #tpu.memory_space<vmem_shared>> -> memref<128x64xf32, #tpu.memory_space<vmem_shared>>
          tpu.wait_dma2 semaphore(%arg27 : memref<!tpu.dma_semaphore, #tpu.memory_space<semaphore_mem>>) src(%arg10 : memref<128x64xf32, #tpu.memory_space<vmem>>) dst(%dma_wait3A_785 : memref<128x64xf32, #tpu.memory_space<vmem_shared>>)
        } else {
        }
        %add3A_740 = arith.constant 2 : i32
        %add3A_741 = arith.addi %add3A_112, %add3A_740 : i32
        %add3A_742 = arith.constant 8 : i32
        %add3A_743 = arith.addi %add3A_741, %add3A_742 : i32
        %sub3A_744 = arith.constant 1 : i32
        %sub3A_745 = arith.subi %add3A_743, %sub3A_744 : i32
        %jit3A_746 = arith.constant 50 : i32
        %div3A_747 = arith.divsi %sub3A_745, %jit3A_746 : i32
        %sign3A_748 = arith.constant 0 : i32
        %sign3A_749 = arith.cmpi sgt, %sub3A_745, %sign3A_748 : i32
        %sign3A_750 = arith.extui %sign3A_749 : i1 to i32
        %sign3A_751 = arith.constant 0 : i32
        %sign3A_752 = arith.cmpi slt, %sub3A_745, %sign3A_751 : i32
        %sign3A_753 = arith.extui %sign3A_752 : i1 to i32
        %sign3A_754 = arith.subi %sign3A_750, %sign3A_753 : i32
        %sign3A_755 = arith.constant 0 : i32
        %sign3A_756 = arith.cmpi sgt, %jit3A_746, %sign3A_755 : i32
        %sign3A_757 = arith.extui %sign3A_756 : i1 to i32
        %sign3A_758 = arith.constant 0 : i32
        %sign3A_759 = arith.cmpi slt, %jit3A_746, %sign3A_758 : i32
        %sign3A_760 = arith.extui %sign3A_759 : i1 to i32
        %sign3A_761 = arith.subi %sign3A_757, %sign3A_760 : i32
        %ne3A_762 = arith.cmpi ne, %sign3A_754, %sign3A_761 : i32
        %rem3A_763 = arith.remsi %sub3A_745, %jit3A_746 : i32
        %ne3A_764 = arith.constant 0 : i32
        %ne3A_765 = arith.cmpi ne, %rem3A_763, %ne3A_764 : i32
        %and3A_766 = arith.andi %ne3A_762, %ne3A_765 : i1
        %sub3A_767 = arith.constant 1 : i32
        %sub3A_768 = arith.subi %div3A_747, %sub3A_767 : i32
        %select_n3A_769 = arith.select %and3A_766, %sub3A_768, %div3A_747 : i32
        %mul3A_770 = arith.constant 50 : i32
        %mul3A_771 = arith.muli %select_n3A_769, %mul3A_770 : i32
        %sub3A_772 = arith.subi %sub3A_745, %mul3A_771 : i32
        %mul3A_773 = arith.constant 128 : i32
        %mul3A_774 = arith.muli %select_n3A_769, %mul3A_773 : i32
        %dma_start3A_775 = tpu.memref_slice %arg7[%sub3A_772, %mul3A_774] : memref<50x512xi32, #tpu.memory_space<vmem>> -> memref<1x128xi32, #tpu.memory_space<vmem>>
        %dma_start3A_776 = tpu.memref_squeeze %dma_start3A_775 : memref<1x128xi32, #tpu.memory_space<vmem>> -> memref<128xi32, #tpu.memory_space<vmem>>
        %dma_start3A_777 = arith.constant 0 : i32
        %dma_start3A_778 = arith.constant 0 : i32
        %dma_start3A_779 = tpu.memref_slice %arg3[%dma_start3A_777, %dma_start3A_778] : memref<1000000x64xf32, #tpu.memory_space<hbm>> -> memref<1000000x64xf32, #tpu.memory_space<hbm>>
        tpu.enqueue_indirect_dma source(%dma_start3A_779 : memref<1000000x64xf32, #tpu.memory_space<hbm>>) target(%arg10 : memref<128x64xf32, #tpu.memory_space<vmem>>) offsets(%dma_start3A_776 : memref<128xi32, #tpu.memory_space<vmem>>) semaphore(%arg19 : memref<!tpu.dma_semaphore, #tpu.memory_space<semaphore_mem>>)
      } else {
      }
      %add3A_339 = arith.constant 3 : i32
      %add3A_340 = arith.addi %add3A_112, %add3A_339 : i32
      %jit3A_341 = arith.constant 50 : i32
      %div3A_342 = arith.divsi %add3A_340, %jit3A_341 : i32
      %sign3A_343 = arith.constant 0 : i32
      %sign3A_344 = arith.cmpi sgt, %add3A_340, %sign3A_343 : i32
      %sign3A_345 = arith.extui %sign3A_344 : i1 to i32
      %sign3A_346 = arith.constant 0 : i32
      %sign3A_347 = arith.cmpi slt, %add3A_340, %sign3A_346 : i32
      %sign3A_348 = arith.extui %sign3A_347 : i1 to i32
      %sign3A_349 = arith.subi %sign3A_345, %sign3A_348 : i32
      %sign3A_350 = arith.constant 0 : i32
      %sign3A_351 = arith.cmpi sgt, %jit3A_341, %sign3A_350 : i32
      %sign3A_352 = arith.extui %sign3A_351 : i1 to i32
      %sign3A_353 = arith.constant 0 : i32
      %sign3A_354 = arith.cmpi slt, %jit3A_341, %sign3A_353 : i32
      %sign3A_355 = arith.extui %sign3A_354 : i1 to i32
      %sign3A_356 = arith.subi %sign3A_352, %sign3A_355 : i32
      %ne3A_357 = arith.cmpi ne, %sign3A_349, %sign3A_356 : i32
      %rem3A_358 = arith.remsi %add3A_340, %jit3A_341 : i32
      %ne3A_359 = arith.constant 0 : i32
      %ne3A_360 = arith.cmpi ne, %rem3A_358, %ne3A_359 : i32
      %and3A_361 = arith.andi %ne3A_357, %ne3A_360 : i1
      %sub3A_362 = arith.constant 1 : i32
      %sub3A_363 = arith.subi %div3A_342, %sub3A_362 : i32
      %select_n3A_364 = arith.select %and3A_361, %sub3A_363, %div3A_342 : i32
      %mul3A_365 = arith.constant 50 : i32
      %mul3A_366 = arith.muli %select_n3A_364, %mul3A_365 : i32
      %sub3A_367 = arith.subi %add3A_340, %mul3A_366 : i32
      %mul3A_368 = arith.constant 128 : i32
      %mul3A_369 = arith.muli %select_n3A_364, %mul3A_368 : i32
      %dma_wait3A_370 = tpu.memref_slice %arg7[%sub3A_367, %mul3A_369] : memref<50x512xi32, #tpu.memory_space<vmem>> -> memref<1x128xi32, #tpu.memory_space<vmem>>
      %dma_wait3A_371 = tpu.memref_squeeze %dma_wait3A_370 : memref<1x128xi32, #tpu.memory_space<vmem>> -> memref<128xi32, #tpu.memory_space<vmem>>
      %dma_wait3A_372 = arith.constant 0 : i32
      %dma_wait3A_373 = arith.constant 0 : i32
      %dma_wait3A_374 = tpu.memref_slice %arg3[%dma_wait3A_372, %dma_wait3A_373] : memref<1000000x64xf32, #tpu.memory_space<hbm>> -> memref<1000000x64xf32, #tpu.memory_space<hbm>>
      tpu.wait_indirect_dma semaphore(%arg21 : memref<!tpu.dma_semaphore, #tpu.memory_space<semaphore_mem>>) src(%dma_wait3A_374 : memref<1000000x64xf32, #tpu.memory_space<hbm>>) dst(%arg12 : memref<128x64xf32, #tpu.memory_space<vmem>>)
      %add3A_375 = arith.constant 3 : i32
      %add3A_376 = arith.addi %add3A_112, %add3A_375 : i32
      %jit3A_377 = arith.constant 50 : i32
      %div3A_378 = arith.divsi %add3A_376, %jit3A_377 : i32
      %sign3A_379 = arith.constant 0 : i32
      %sign3A_380 = arith.cmpi sgt, %add3A_376, %sign3A_379 : i32
      %sign3A_381 = arith.extui %sign3A_380 : i1 to i32
      %sign3A_382 = arith.constant 0 : i32
      %sign3A_383 = arith.cmpi slt, %add3A_376, %sign3A_382 : i32
      %sign3A_384 = arith.extui %sign3A_383 : i1 to i32
      %sign3A_385 = arith.subi %sign3A_381, %sign3A_384 : i32
      %sign3A_386 = arith.constant 0 : i32
      %sign3A_387 = arith.cmpi sgt, %jit3A_377, %sign3A_386 : i32
      %sign3A_388 = arith.extui %sign3A_387 : i1 to i32
      %sign3A_389 = arith.constant 0 : i32
      %sign3A_390 = arith.cmpi slt, %jit3A_377, %sign3A_389 : i32
      %sign3A_391 = arith.extui %sign3A_390 : i1 to i32
      %sign3A_392 = arith.subi %sign3A_388, %sign3A_391 : i32
      %ne3A_393 = arith.cmpi ne, %sign3A_385, %sign3A_392 : i32
      %rem3A_394 = arith.remsi %add3A_376, %jit3A_377 : i32
      %ne3A_395 = arith.constant 0 : i32
      %ne3A_396 = arith.cmpi ne, %rem3A_394, %ne3A_395 : i32
      %and3A_397 = arith.andi %ne3A_393, %ne3A_396 : i1
      %sub3A_398 = arith.constant 1 : i32
      %sub3A_399 = arith.subi %div3A_378, %sub3A_398 : i32
      %select_n3A_400 = arith.select %and3A_397, %sub3A_399, %div3A_378 : i32
      %dma_start3A_401 = arith.constant 0 : i32
      %dma_start3A_402 = tpu.memref_slice %arg8[%select_n3A_400, %dma_start3A_401] : memref<4x128xi32, #tpu.memory_space<vmem>> -> memref<1x128xi32, #tpu.memory_space<vmem>>
      %dma_start3A_403 = tpu.memref_squeeze %dma_start3A_402 : memref<1x128xi32, #tpu.memory_space<vmem>> -> memref<128xi32, #tpu.memory_space<vmem>>
      %dma_start3A_404 = arith.constant 0 : i32
      %dma_start3A_405 = arith.constant 0 : i32
      %dma_start3A_406 = tpu.memref_slice %arg17[%dma_start3A_404, %dma_start3A_405] : memref<8192x64xf32, #tpu.memory_space<vmem_shared>> -> memref<8192x64xf32, #tpu.memory_space<vmem_shared>>
      tpu.enqueue_indirect_dma source(%arg12 : memref<128x64xf32, #tpu.memory_space<vmem>>) target(%dma_start3A_406 : memref<8192x64xf32, #tpu.memory_space<vmem_shared>>) offsets(%dma_start3A_403 : memref<128xi32, #tpu.memory_space<vmem>>) semaphore(%arg29 : memref<!tpu.dma_semaphore, #tpu.memory_space<semaphore_mem>>) {add = true}
      %add3A_407 = arith.constant 3 : i32
      %add3A_408 = arith.addi %add3A_112, %add3A_407 : i32
      %add3A_409 = arith.constant 8 : i32
      %add3A_410 = arith.addi %add3A_408, %add3A_409 : i32
      %sub3A_411 = arith.constant 1 : i32
      %sub3A_412 = arith.subi %add3A_410, %sub3A_411 : i32
      %lt3A_413 = arith.constant 200 : i32
      %lt3A_414 = arith.cmpi slt, %sub3A_412, %lt3A_413 : i32
      %convert_element_type3A_415 = arith.extui %lt3A_414 : i1 to i32
      %cond3A_416 = arith.constant 0 : i32
      %cond3A_417 = arith.cmpi ne, %convert_element_type3A_415, %cond3A_416 : i32
      scf.if %cond3A_417 {
        %add3A_734 = arith.constant 3 : i32
        %add3A_735 = arith.addi %add3A_112, %add3A_734 : i32
        %gt3A = arith.constant 0 : i32
        %gt3A_736 = arith.cmpi sgt, %add3A_735, %gt3A : i32
        %convert_element_type3A_737 = arith.extui %gt3A_736 : i1 to i32
        %cond3A_738 = arith.constant 0 : i32
        %cond3A_739 = arith.cmpi ne, %convert_element_type3A_737, %cond3A_738 : i32
        scf.if %cond3A_739 {
          %mul3A_780 = arith.constant 512 : i32
          %mul3A_781 = arith.muli %arg1, %mul3A_780 : i32
          %dma_wait3A_782 = arith.constant 0 : i32
          %dma_wait3A_783 = tpu.memref_slice %arg17[%mul3A_781, %dma_wait3A_782] : memref<8192x64xf32, #tpu.memory_space<vmem_shared>> -> memref<128x64xf32, #tpu.memory_space<vmem_shared>>
          %dma_wait3A_784 = arith.constant 0 : i32
          %dma_wait3A_785 = tpu.memref_slice %arg17[%mul3A_781, %dma_wait3A_784] : memref<8192x64xf32, #tpu.memory_space<vmem_shared>> -> memref<128x64xf32, #tpu.memory_space<vmem_shared>>
          tpu.wait_dma2 semaphore(%arg28 : memref<!tpu.dma_semaphore, #tpu.memory_space<semaphore_mem>>) src(%arg11 : memref<128x64xf32, #tpu.memory_space<vmem>>) dst(%dma_wait3A_785 : memref<128x64xf32, #tpu.memory_space<vmem_shared>>)
        } else {
        }
        %add3A_740 = arith.constant 3 : i32
        %add3A_741 = arith.addi %add3A_112, %add3A_740 : i32
        %add3A_742 = arith.constant 8 : i32
        %add3A_743 = arith.addi %add3A_741, %add3A_742 : i32
        %sub3A_744 = arith.constant 1 : i32
        %sub3A_745 = arith.subi %add3A_743, %sub3A_744 : i32
        %jit3A_746 = arith.constant 50 : i32
        %div3A_747 = arith.divsi %sub3A_745, %jit3A_746 : i32
        %sign3A_748 = arith.constant 0 : i32
        %sign3A_749 = arith.cmpi sgt, %sub3A_745, %sign3A_748 : i32
        %sign3A_750 = arith.extui %sign3A_749 : i1 to i32
        %sign3A_751 = arith.constant 0 : i32
        %sign3A_752 = arith.cmpi slt, %sub3A_745, %sign3A_751 : i32
        %sign3A_753 = arith.extui %sign3A_752 : i1 to i32
        %sign3A_754 = arith.subi %sign3A_750, %sign3A_753 : i32
        %sign3A_755 = arith.constant 0 : i32
        %sign3A_756 = arith.cmpi sgt, %jit3A_746, %sign3A_755 : i32
        %sign3A_757 = arith.extui %sign3A_756 : i1 to i32
        %sign3A_758 = arith.constant 0 : i32
        %sign3A_759 = arith.cmpi slt, %jit3A_746, %sign3A_758 : i32
        %sign3A_760 = arith.extui %sign3A_759 : i1 to i32
        %sign3A_761 = arith.subi %sign3A_757, %sign3A_760 : i32
        %ne3A_762 = arith.cmpi ne, %sign3A_754, %sign3A_761 : i32
        %rem3A_763 = arith.remsi %sub3A_745, %jit3A_746 : i32
        %ne3A_764 = arith.constant 0 : i32
        %ne3A_765 = arith.cmpi ne, %rem3A_763, %ne3A_764 : i32
        %and3A_766 = arith.andi %ne3A_762, %ne3A_765 : i1
        %sub3A_767 = arith.constant 1 : i32
        %sub3A_768 = arith.subi %div3A_747, %sub3A_767 : i32
        %select_n3A_769 = arith.select %and3A_766, %sub3A_768, %div3A_747 : i32
        %mul3A_770 = arith.constant 50 : i32
        %mul3A_771 = arith.muli %select_n3A_769, %mul3A_770 : i32
        %sub3A_772 = arith.subi %sub3A_745, %mul3A_771 : i32
        %mul3A_773 = arith.constant 128 : i32
        %mul3A_774 = arith.muli %select_n3A_769, %mul3A_773 : i32
        %dma_start3A_775 = tpu.memref_slice %arg7[%sub3A_772, %mul3A_774] : memref<50x512xi32, #tpu.memory_space<vmem>> -> memref<1x128xi32, #tpu.memory_space<vmem>>
        %dma_start3A_776 = tpu.memref_squeeze %dma_start3A_775 : memref<1x128xi32, #tpu.memory_space<vmem>> -> memref<128xi32, #tpu.memory_space<vmem>>
        %dma_start3A_777 = arith.constant 0 : i32
        %dma_start3A_778 = arith.constant 0 : i32
        %dma_start3A_779 = tpu.memref_slice %arg3[%dma_start3A_777, %dma_start3A_778] : memref<1000000x64xf32, #tpu.memory_space<hbm>> -> memref<1000000x64xf32, #tpu.memory_space<hbm>>
        tpu.enqueue_indirect_dma source(%dma_start3A_779 : memref<1000000x64xf32, #tpu.memory_space<hbm>>) target(%arg11 : memref<128x64xf32, #tpu.memory_space<vmem>>) offsets(%dma_start3A_776 : memref<128xi32, #tpu.memory_space<vmem>>) semaphore(%arg20 : memref<!tpu.dma_semaphore, #tpu.memory_space<semaphore_mem>>)
      } else {
      }
      %add3A_418 = arith.constant 4 : i32
      %add3A_419 = arith.addi %add3A_112, %add3A_418 : i32
      %jit3A_420 = arith.constant 50 : i32
      %div3A_421 = arith.divsi %add3A_419, %jit3A_420 : i32
      %sign3A_422 = arith.constant 0 : i32
      %sign3A_423 = arith.cmpi sgt, %add3A_419, %sign3A_422 : i32
      %sign3A_424 = arith.extui %sign3A_423 : i1 to i32
      %sign3A_425 = arith.constant 0 : i32
      %sign3A_426 = arith.cmpi slt, %add3A_419, %sign3A_425 : i32
      %sign3A_427 = arith.extui %sign3A_426 : i1 to i32
      %sign3A_428 = arith.subi %sign3A_424, %sign3A_427 : i32
      %sign3A_429 = arith.constant 0 : i32
      %sign3A_430 = arith.cmpi sgt, %jit3A_420, %sign3A_429 : i32
      %sign3A_431 = arith.extui %sign3A_430 : i1 to i32
      %sign3A_432 = arith.constant 0 : i32
      %sign3A_433 = arith.cmpi slt, %jit3A_420, %sign3A_432 : i32
      %sign3A_434 = arith.extui %sign3A_433 : i1 to i32
      %sign3A_435 = arith.subi %sign3A_431, %sign3A_434 : i32
      %ne3A_436 = arith.cmpi ne, %sign3A_428, %sign3A_435 : i32
      %rem3A_437 = arith.remsi %add3A_419, %jit3A_420 : i32
      %ne3A_438 = arith.constant 0 : i32
      %ne3A_439 = arith.cmpi ne, %rem3A_437, %ne3A_438 : i32
      %and3A_440 = arith.andi %ne3A_436, %ne3A_439 : i1
      %sub3A_441 = arith.constant 1 : i32
      %sub3A_442 = arith.subi %div3A_421, %sub3A_441 : i32
      %select_n3A_443 = arith.select %and3A_440, %sub3A_442, %div3A_421 : i32
      %mul3A_444 = arith.constant 50 : i32
      %mul3A_445 = arith.muli %select_n3A_443, %mul3A_444 : i32
      %sub3A_446 = arith.subi %add3A_419, %mul3A_445 : i32
      %mul3A_447 = arith.constant 128 : i32
      %mul3A_448 = arith.muli %select_n3A_443, %mul3A_447 : i32
      %dma_wait3A_449 = tpu.memref_slice %arg7[%sub3A_446, %mul3A_448] : memref<50x512xi32, #tpu.memory_space<vmem>> -> memref<1x128xi32, #tpu.memory_space<vmem>>
      %dma_wait3A_450 = tpu.memref_squeeze %dma_wait3A_449 : memref<1x128xi32, #tpu.memory_space<vmem>> -> memref<128xi32, #tpu.memory_space<vmem>>
      %dma_wait3A_451 = arith.constant 0 : i32
      %dma_wait3A_452 = arith.constant 0 : i32
      %dma_wait3A_453 = tpu.memref_slice %arg3[%dma_wait3A_451, %dma_wait3A_452] : memref<1000000x64xf32, #tpu.memory_space<hbm>> -> memref<1000000x64xf32, #tpu.memory_space<hbm>>
      tpu.wait_indirect_dma semaphore(%arg22 : memref<!tpu.dma_semaphore, #tpu.memory_space<semaphore_mem>>) src(%dma_wait3A_453 : memref<1000000x64xf32, #tpu.memory_space<hbm>>) dst(%arg13 : memref<128x64xf32, #tpu.memory_space<vmem>>)
      %add3A_454 = arith.constant 4 : i32
      %add3A_455 = arith.addi %add3A_112, %add3A_454 : i32
      %jit3A_456 = arith.constant 50 : i32
      %div3A_457 = arith.divsi %add3A_455, %jit3A_456 : i32
      %sign3A_458 = arith.constant 0 : i32
      %sign3A_459 = arith.cmpi sgt, %add3A_455, %sign3A_458 : i32
      %sign3A_460 = arith.extui %sign3A_459 : i1 to i32
      %sign3A_461 = arith.constant 0 : i32
      %sign3A_462 = arith.cmpi slt, %add3A_455, %sign3A_461 : i32
      %sign3A_463 = arith.extui %sign3A_462 : i1 to i32
      %sign3A_464 = arith.subi %sign3A_460, %sign3A_463 : i32
      %sign3A_465 = arith.constant 0 : i32
      %sign3A_466 = arith.cmpi sgt, %jit3A_456, %sign3A_465 : i32
      %sign3A_467 = arith.extui %sign3A_466 : i1 to i32
      %sign3A_468 = arith.constant 0 : i32
      %sign3A_469 = arith.cmpi slt, %jit3A_456, %sign3A_468 : i32
      %sign3A_470 = arith.extui %sign3A_469 : i1 to i32
      %sign3A_471 = arith.subi %sign3A_467, %sign3A_470 : i32
      %ne3A_472 = arith.cmpi ne, %sign3A_464, %sign3A_471 : i32
      %rem3A_473 = arith.remsi %add3A_455, %jit3A_456 : i32
      %ne3A_474 = arith.constant 0 : i32
      %ne3A_475 = arith.cmpi ne, %rem3A_473, %ne3A_474 : i32
      %and3A_476 = arith.andi %ne3A_472, %ne3A_475 : i1
      %sub3A_477 = arith.constant 1 : i32
      %sub3A_478 = arith.subi %div3A_457, %sub3A_477 : i32
      %select_n3A_479 = arith.select %and3A_476, %sub3A_478, %div3A_457 : i32
      %dma_start3A_480 = arith.constant 0 : i32
      %dma_start3A_481 = tpu.memref_slice %arg8[%select_n3A_479, %dma_start3A_480] : memref<4x128xi32, #tpu.memory_space<vmem>> -> memref<1x128xi32, #tpu.memory_space<vmem>>
      %dma_start3A_482 = tpu.memref_squeeze %dma_start3A_481 : memref<1x128xi32, #tpu.memory_space<vmem>> -> memref<128xi32, #tpu.memory_space<vmem>>
      %dma_start3A_483 = arith.constant 0 : i32
      %dma_start3A_484 = arith.constant 0 : i32
      %dma_start3A_485 = tpu.memref_slice %arg17[%dma_start3A_483, %dma_start3A_484] : memref<8192x64xf32, #tpu.memory_space<vmem_shared>> -> memref<8192x64xf32, #tpu.memory_space<vmem_shared>>
      tpu.enqueue_indirect_dma source(%arg13 : memref<128x64xf32, #tpu.memory_space<vmem>>) target(%dma_start3A_485 : memref<8192x64xf32, #tpu.memory_space<vmem_shared>>) offsets(%dma_start3A_482 : memref<128xi32, #tpu.memory_space<vmem>>) semaphore(%arg30 : memref<!tpu.dma_semaphore, #tpu.memory_space<semaphore_mem>>) {add = true}
      %add3A_486 = arith.constant 4 : i32
      %add3A_487 = arith.addi %add3A_112, %add3A_486 : i32
      %add3A_488 = arith.constant 8 : i32
      %add3A_489 = arith.addi %add3A_487, %add3A_488 : i32
      %sub3A_490 = arith.constant 1 : i32
      %sub3A_491 = arith.subi %add3A_489, %sub3A_490 : i32
      %lt3A_492 = arith.constant 200 : i32
      %lt3A_493 = arith.cmpi slt, %sub3A_491, %lt3A_492 : i32
      %convert_element_type3A_494 = arith.extui %lt3A_493 : i1 to i32
      %cond3A_495 = arith.constant 0 : i32
      %cond3A_496 = arith.cmpi ne, %convert_element_type3A_494, %cond3A_495 : i32
      scf.if %cond3A_496 {
        %add3A_734 = arith.constant 4 : i32
        %add3A_735 = arith.addi %add3A_112, %add3A_734 : i32
        %gt3A = arith.constant 0 : i32
        %gt3A_736 = arith.cmpi sgt, %add3A_735, %gt3A : i32
        %convert_element_type3A_737 = arith.extui %gt3A_736 : i1 to i32
        %cond3A_738 = arith.constant 0 : i32
        %cond3A_739 = arith.cmpi ne, %convert_element_type3A_737, %cond3A_738 : i32
        scf.if %cond3A_739 {
          %mul3A_780 = arith.constant 512 : i32
          %mul3A_781 = arith.muli %arg1, %mul3A_780 : i32
          %dma_wait3A_782 = arith.constant 0 : i32
          %dma_wait3A_783 = tpu.memref_slice %arg17[%mul3A_781, %dma_wait3A_782] : memref<8192x64xf32, #tpu.memory_space<vmem_shared>> -> memref<128x64xf32, #tpu.memory_space<vmem_shared>>
          %dma_wait3A_784 = arith.constant 0 : i32
          %dma_wait3A_785 = tpu.memref_slice %arg17[%mul3A_781, %dma_wait3A_784] : memref<8192x64xf32, #tpu.memory_space<vmem_shared>> -> memref<128x64xf32, #tpu.memory_space<vmem_shared>>
          tpu.wait_dma2 semaphore(%arg29 : memref<!tpu.dma_semaphore, #tpu.memory_space<semaphore_mem>>) src(%arg12 : memref<128x64xf32, #tpu.memory_space<vmem>>) dst(%dma_wait3A_785 : memref<128x64xf32, #tpu.memory_space<vmem_shared>>)
        } else {
        }
        %add3A_740 = arith.constant 4 : i32
        %add3A_741 = arith.addi %add3A_112, %add3A_740 : i32
        %add3A_742 = arith.constant 8 : i32
        %add3A_743 = arith.addi %add3A_741, %add3A_742 : i32
        %sub3A_744 = arith.constant 1 : i32
        %sub3A_745 = arith.subi %add3A_743, %sub3A_744 : i32
        %jit3A_746 = arith.constant 50 : i32
        %div3A_747 = arith.divsi %sub3A_745, %jit3A_746 : i32
        %sign3A_748 = arith.constant 0 : i32
        %sign3A_749 = arith.cmpi sgt, %sub3A_745, %sign3A_748 : i32
        %sign3A_750 = arith.extui %sign3A_749 : i1 to i32
        %sign3A_751 = arith.constant 0 : i32
        %sign3A_752 = arith.cmpi slt, %sub3A_745, %sign3A_751 : i32
        %sign3A_753 = arith.extui %sign3A_752 : i1 to i32
        %sign3A_754 = arith.subi %sign3A_750, %sign3A_753 : i32
        %sign3A_755 = arith.constant 0 : i32
        %sign3A_756 = arith.cmpi sgt, %jit3A_746, %sign3A_755 : i32
        %sign3A_757 = arith.extui %sign3A_756 : i1 to i32
        %sign3A_758 = arith.constant 0 : i32
        %sign3A_759 = arith.cmpi slt, %jit3A_746, %sign3A_758 : i32
        %sign3A_760 = arith.extui %sign3A_759 : i1 to i32
        %sign3A_761 = arith.subi %sign3A_757, %sign3A_760 : i32
        %ne3A_762 = arith.cmpi ne, %sign3A_754, %sign3A_761 : i32
        %rem3A_763 = arith.remsi %sub3A_745, %jit3A_746 : i32
        %ne3A_764 = arith.constant 0 : i32
        %ne3A_765 = arith.cmpi ne, %rem3A_763, %ne3A_764 : i32
        %and3A_766 = arith.andi %ne3A_762, %ne3A_765 : i1
        %sub3A_767 = arith.constant 1 : i32
        %sub3A_768 = arith.subi %div3A_747, %sub3A_767 : i32
        %select_n3A_769 = arith.select %and3A_766, %sub3A_768, %div3A_747 : i32
        %mul3A_770 = arith.constant 50 : i32
        %mul3A_771 = arith.muli %select_n3A_769, %mul3A_770 : i32
        %sub3A_772 = arith.subi %sub3A_745, %mul3A_771 : i32
        %mul3A_773 = arith.constant 128 : i32
        %mul3A_774 = arith.muli %select_n3A_769, %mul3A_773 : i32
        %dma_start3A_775 = tpu.memref_slice %arg7[%sub3A_772, %mul3A_774] : memref<50x512xi32, #tpu.memory_space<vmem>> -> memref<1x128xi32, #tpu.memory_space<vmem>>
        %dma_start3A_776 = tpu.memref_squeeze %dma_start3A_775 : memref<1x128xi32, #tpu.memory_space<vmem>> -> memref<128xi32, #tpu.memory_space<vmem>>
        %dma_start3A_777 = arith.constant 0 : i32
        %dma_start3A_778 = arith.constant 0 : i32
        %dma_start3A_779 = tpu.memref_slice %arg3[%dma_start3A_777, %dma_start3A_778] : memref<1000000x64xf32, #tpu.memory_space<hbm>> -> memref<1000000x64xf32, #tpu.memory_space<hbm>>
        tpu.enqueue_indirect_dma source(%dma_start3A_779 : memref<1000000x64xf32, #tpu.memory_space<hbm>>) target(%arg12 : memref<128x64xf32, #tpu.memory_space<vmem>>) offsets(%dma_start3A_776 : memref<128xi32, #tpu.memory_space<vmem>>) semaphore(%arg21 : memref<!tpu.dma_semaphore, #tpu.memory_space<semaphore_mem>>)
      } else {
      }
      %add3A_497 = arith.constant 5 : i32
      %add3A_498 = arith.addi %add3A_112, %add3A_497 : i32
      %jit3A_499 = arith.constant 50 : i32
      %div3A_500 = arith.divsi %add3A_498, %jit3A_499 : i32
      %sign3A_501 = arith.constant 0 : i32
      %sign3A_502 = arith.cmpi sgt, %add3A_498, %sign3A_501 : i32
      %sign3A_503 = arith.extui %sign3A_502 : i1 to i32
      %sign3A_504 = arith.constant 0 : i32
      %sign3A_505 = arith.cmpi slt, %add3A_498, %sign3A_504 : i32
      %sign3A_506 = arith.extui %sign3A_505 : i1 to i32
      %sign3A_507 = arith.subi %sign3A_503, %sign3A_506 : i32
      %sign3A_508 = arith.constant 0 : i32
      %sign3A_509 = arith.cmpi sgt, %jit3A_499, %sign3A_508 : i32
      %sign3A_510 = arith.extui %sign3A_509 : i1 to i32
      %sign3A_511 = arith.constant 0 : i32
      %sign3A_512 = arith.cmpi slt, %jit3A_499, %sign3A_511 : i32
      %sign3A_513 = arith.extui %sign3A_512 : i1 to i32
      %sign3A_514 = arith.subi %sign3A_510, %sign3A_513 : i32
      %ne3A_515 = arith.cmpi ne, %sign3A_507, %sign3A_514 : i32
      %rem3A_516 = arith.remsi %add3A_498, %jit3A_499 : i32
      %ne3A_517 = arith.constant 0 : i32
      %ne3A_518 = arith.cmpi ne, %rem3A_516, %ne3A_517 : i32
      %and3A_519 = arith.andi %ne3A_515, %ne3A_518 : i1
      %sub3A_520 = arith.constant 1 : i32
      %sub3A_521 = arith.subi %div3A_500, %sub3A_520 : i32
      %select_n3A_522 = arith.select %and3A_519, %sub3A_521, %div3A_500 : i32
      %mul3A_523 = arith.constant 50 : i32
      %mul3A_524 = arith.muli %select_n3A_522, %mul3A_523 : i32
      %sub3A_525 = arith.subi %add3A_498, %mul3A_524 : i32
      %mul3A_526 = arith.constant 128 : i32
      %mul3A_527 = arith.muli %select_n3A_522, %mul3A_526 : i32
      %dma_wait3A_528 = tpu.memref_slice %arg7[%sub3A_525, %mul3A_527] : memref<50x512xi32, #tpu.memory_space<vmem>> -> memref<1x128xi32, #tpu.memory_space<vmem>>
      %dma_wait3A_529 = tpu.memref_squeeze %dma_wait3A_528 : memref<1x128xi32, #tpu.memory_space<vmem>> -> memref<128xi32, #tpu.memory_space<vmem>>
      %dma_wait3A_530 = arith.constant 0 : i32
      %dma_wait3A_531 = arith.constant 0 : i32
      %dma_wait3A_532 = tpu.memref_slice %arg3[%dma_wait3A_530, %dma_wait3A_531] : memref<1000000x64xf32, #tpu.memory_space<hbm>> -> memref<1000000x64xf32, #tpu.memory_space<hbm>>
      tpu.wait_indirect_dma semaphore(%arg23 : memref<!tpu.dma_semaphore, #tpu.memory_space<semaphore_mem>>) src(%dma_wait3A_532 : memref<1000000x64xf32, #tpu.memory_space<hbm>>) dst(%arg14 : memref<128x64xf32, #tpu.memory_space<vmem>>)
      %add3A_533 = arith.constant 5 : i32
      %add3A_534 = arith.addi %add3A_112, %add3A_533 : i32
      %jit3A_535 = arith.constant 50 : i32
      %div3A_536 = arith.divsi %add3A_534, %jit3A_535 : i32
      %sign3A_537 = arith.constant 0 : i32
      %sign3A_538 = arith.cmpi sgt, %add3A_534, %sign3A_537 : i32
      %sign3A_539 = arith.extui %sign3A_538 : i1 to i32
      %sign3A_540 = arith.constant 0 : i32
      %sign3A_541 = arith.cmpi slt, %add3A_534, %sign3A_540 : i32
      %sign3A_542 = arith.extui %sign3A_541 : i1 to i32
      %sign3A_543 = arith.subi %sign3A_539, %sign3A_542 : i32
      %sign3A_544 = arith.constant 0 : i32
      %sign3A_545 = arith.cmpi sgt, %jit3A_535, %sign3A_544 : i32
      %sign3A_546 = arith.extui %sign3A_545 : i1 to i32
      %sign3A_547 = arith.constant 0 : i32
      %sign3A_548 = arith.cmpi slt, %jit3A_535, %sign3A_547 : i32
      %sign3A_549 = arith.extui %sign3A_548 : i1 to i32
      %sign3A_550 = arith.subi %sign3A_546, %sign3A_549 : i32
      %ne3A_551 = arith.cmpi ne, %sign3A_543, %sign3A_550 : i32
      %rem3A_552 = arith.remsi %add3A_534, %jit3A_535 : i32
      %ne3A_553 = arith.constant 0 : i32
      %ne3A_554 = arith.cmpi ne, %rem3A_552, %ne3A_553 : i32
      %and3A_555 = arith.andi %ne3A_551, %ne3A_554 : i1
      %sub3A_556 = arith.constant 1 : i32
      %sub3A_557 = arith.subi %div3A_536, %sub3A_556 : i32
      %select_n3A_558 = arith.select %and3A_555, %sub3A_557, %div3A_536 : i32
      %dma_start3A_559 = arith.constant 0 : i32
      %dma_start3A_560 = tpu.memref_slice %arg8[%select_n3A_558, %dma_start3A_559] : memref<4x128xi32, #tpu.memory_space<vmem>> -> memref<1x128xi32, #tpu.memory_space<vmem>>
      %dma_start3A_561 = tpu.memref_squeeze %dma_start3A_560 : memref<1x128xi32, #tpu.memory_space<vmem>> -> memref<128xi32, #tpu.memory_space<vmem>>
      %dma_start3A_562 = arith.constant 0 : i32
      %dma_start3A_563 = arith.constant 0 : i32
      %dma_start3A_564 = tpu.memref_slice %arg17[%dma_start3A_562, %dma_start3A_563] : memref<8192x64xf32, #tpu.memory_space<vmem_shared>> -> memref<8192x64xf32, #tpu.memory_space<vmem_shared>>
      tpu.enqueue_indirect_dma source(%arg14 : memref<128x64xf32, #tpu.memory_space<vmem>>) target(%dma_start3A_564 : memref<8192x64xf32, #tpu.memory_space<vmem_shared>>) offsets(%dma_start3A_561 : memref<128xi32, #tpu.memory_space<vmem>>) semaphore(%arg31 : memref<!tpu.dma_semaphore, #tpu.memory_space<semaphore_mem>>) {add = true}
      %add3A_565 = arith.constant 5 : i32
      %add3A_566 = arith.addi %add3A_112, %add3A_565 : i32
      %add3A_567 = arith.constant 8 : i32
      %add3A_568 = arith.addi %add3A_566, %add3A_567 : i32
      %sub3A_569 = arith.constant 1 : i32
      %sub3A_570 = arith.subi %add3A_568, %sub3A_569 : i32
      %lt3A_571 = arith.constant 200 : i32
      %lt3A_572 = arith.cmpi slt, %sub3A_570, %lt3A_571 : i32
      %convert_element_type3A_573 = arith.extui %lt3A_572 : i1 to i32
      %cond3A_574 = arith.constant 0 : i32
      %cond3A_575 = arith.cmpi ne, %convert_element_type3A_573, %cond3A_574 : i32
      scf.if %cond3A_575 {
        %add3A_734 = arith.constant 5 : i32
        %add3A_735 = arith.addi %add3A_112, %add3A_734 : i32
        %gt3A = arith.constant 0 : i32
        %gt3A_736 = arith.cmpi sgt, %add3A_735, %gt3A : i32
        %convert_element_type3A_737 = arith.extui %gt3A_736 : i1 to i32
        %cond3A_738 = arith.constant 0 : i32
        %cond3A_739 = arith.cmpi ne, %convert_element_type3A_737, %cond3A_738 : i32
        scf.if %cond3A_739 {
          %mul3A_780 = arith.constant 512 : i32
          %mul3A_781 = arith.muli %arg1, %mul3A_780 : i32
          %dma_wait3A_782 = arith.constant 0 : i32
          %dma_wait3A_783 = tpu.memref_slice %arg17[%mul3A_781, %dma_wait3A_782] : memref<8192x64xf32, #tpu.memory_space<vmem_shared>> -> memref<128x64xf32, #tpu.memory_space<vmem_shared>>
          %dma_wait3A_784 = arith.constant 0 : i32
          %dma_wait3A_785 = tpu.memref_slice %arg17[%mul3A_781, %dma_wait3A_784] : memref<8192x64xf32, #tpu.memory_space<vmem_shared>> -> memref<128x64xf32, #tpu.memory_space<vmem_shared>>
          tpu.wait_dma2 semaphore(%arg30 : memref<!tpu.dma_semaphore, #tpu.memory_space<semaphore_mem>>) src(%arg13 : memref<128x64xf32, #tpu.memory_space<vmem>>) dst(%dma_wait3A_785 : memref<128x64xf32, #tpu.memory_space<vmem_shared>>)
        } else {
        }
        %add3A_740 = arith.constant 5 : i32
        %add3A_741 = arith.addi %add3A_112, %add3A_740 : i32
        %add3A_742 = arith.constant 8 : i32
        %add3A_743 = arith.addi %add3A_741, %add3A_742 : i32
        %sub3A_744 = arith.constant 1 : i32
        %sub3A_745 = arith.subi %add3A_743, %sub3A_744 : i32
        %jit3A_746 = arith.constant 50 : i32
        %div3A_747 = arith.divsi %sub3A_745, %jit3A_746 : i32
        %sign3A_748 = arith.constant 0 : i32
        %sign3A_749 = arith.cmpi sgt, %sub3A_745, %sign3A_748 : i32
        %sign3A_750 = arith.extui %sign3A_749 : i1 to i32
        %sign3A_751 = arith.constant 0 : i32
        %sign3A_752 = arith.cmpi slt, %sub3A_745, %sign3A_751 : i32
        %sign3A_753 = arith.extui %sign3A_752 : i1 to i32
        %sign3A_754 = arith.subi %sign3A_750, %sign3A_753 : i32
        %sign3A_755 = arith.constant 0 : i32
        %sign3A_756 = arith.cmpi sgt, %jit3A_746, %sign3A_755 : i32
        %sign3A_757 = arith.extui %sign3A_756 : i1 to i32
        %sign3A_758 = arith.constant 0 : i32
        %sign3A_759 = arith.cmpi slt, %jit3A_746, %sign3A_758 : i32
        %sign3A_760 = arith.extui %sign3A_759 : i1 to i32
        %sign3A_761 = arith.subi %sign3A_757, %sign3A_760 : i32
        %ne3A_762 = arith.cmpi ne, %sign3A_754, %sign3A_761 : i32
        %rem3A_763 = arith.remsi %sub3A_745, %jit3A_746 : i32
        %ne3A_764 = arith.constant 0 : i32
        %ne3A_765 = arith.cmpi ne, %rem3A_763, %ne3A_764 : i32
        %and3A_766 = arith.andi %ne3A_762, %ne3A_765 : i1
        %sub3A_767 = arith.constant 1 : i32
        %sub3A_768 = arith.subi %div3A_747, %sub3A_767 : i32
        %select_n3A_769 = arith.select %and3A_766, %sub3A_768, %div3A_747 : i32
        %mul3A_770 = arith.constant 50 : i32
        %mul3A_771 = arith.muli %select_n3A_769, %mul3A_770 : i32
        %sub3A_772 = arith.subi %sub3A_745, %mul3A_771 : i32
        %mul3A_773 = arith.constant 128 : i32
        %mul3A_774 = arith.muli %select_n3A_769, %mul3A_773 : i32
        %dma_start3A_775 = tpu.memref_slice %arg7[%sub3A_772, %mul3A_774] : memref<50x512xi32, #tpu.memory_space<vmem>> -> memref<1x128xi32, #tpu.memory_space<vmem>>
        %dma_start3A_776 = tpu.memref_squeeze %dma_start3A_775 : memref<1x128xi32, #tpu.memory_space<vmem>> -> memref<128xi32, #tpu.memory_space<vmem>>
        %dma_start3A_777 = arith.constant 0 : i32
        %dma_start3A_778 = arith.constant 0 : i32
        %dma_start3A_779 = tpu.memref_slice %arg3[%dma_start3A_777, %dma_start3A_778] : memref<1000000x64xf32, #tpu.memory_space<hbm>> -> memref<1000000x64xf32, #tpu.memory_space<hbm>>
        tpu.enqueue_indirect_dma source(%dma_start3A_779 : memref<1000000x64xf32, #tpu.memory_space<hbm>>) target(%arg13 : memref<128x64xf32, #tpu.memory_space<vmem>>) offsets(%dma_start3A_776 : memref<128xi32, #tpu.memory_space<vmem>>) semaphore(%arg22 : memref<!tpu.dma_semaphore, #tpu.memory_space<semaphore_mem>>)
      } else {
      }
      %add3A_576 = arith.constant 6 : i32
      %add3A_577 = arith.addi %add3A_112, %add3A_576 : i32
      %jit3A_578 = arith.constant 50 : i32
      %div3A_579 = arith.divsi %add3A_577, %jit3A_578 : i32
      %sign3A_580 = arith.constant 0 : i32
      %sign3A_581 = arith.cmpi sgt, %add3A_577, %sign3A_580 : i32
      %sign3A_582 = arith.extui %sign3A_581 : i1 to i32
      %sign3A_583 = arith.constant 0 : i32
      %sign3A_584 = arith.cmpi slt, %add3A_577, %sign3A_583 : i32
      %sign3A_585 = arith.extui %sign3A_584 : i1 to i32
      %sign3A_586 = arith.subi %sign3A_582, %sign3A_585 : i32
      %sign3A_587 = arith.constant 0 : i32
      %sign3A_588 = arith.cmpi sgt, %jit3A_578, %sign3A_587 : i32
      %sign3A_589 = arith.extui %sign3A_588 : i1 to i32
      %sign3A_590 = arith.constant 0 : i32
      %sign3A_591 = arith.cmpi slt, %jit3A_578, %sign3A_590 : i32
      %sign3A_592 = arith.extui %sign3A_591 : i1 to i32
      %sign3A_593 = arith.subi %sign3A_589, %sign3A_592 : i32
      %ne3A_594 = arith.cmpi ne, %sign3A_586, %sign3A_593 : i32
      %rem3A_595 = arith.remsi %add3A_577, %jit3A_578 : i32
      %ne3A_596 = arith.constant 0 : i32
      %ne3A_597 = arith.cmpi ne, %rem3A_595, %ne3A_596 : i32
      %and3A_598 = arith.andi %ne3A_594, %ne3A_597 : i1
      %sub3A_599 = arith.constant 1 : i32
      %sub3A_600 = arith.subi %div3A_579, %sub3A_599 : i32
      %select_n3A_601 = arith.select %and3A_598, %sub3A_600, %div3A_579 : i32
      %mul3A_602 = arith.constant 50 : i32
      %mul3A_603 = arith.muli %select_n3A_601, %mul3A_602 : i32
      %sub3A_604 = arith.subi %add3A_577, %mul3A_603 : i32
      %mul3A_605 = arith.constant 128 : i32
      %mul3A_606 = arith.muli %select_n3A_601, %mul3A_605 : i32
      %dma_wait3A_607 = tpu.memref_slice %arg7[%sub3A_604, %mul3A_606] : memref<50x512xi32, #tpu.memory_space<vmem>> -> memref<1x128xi32, #tpu.memory_space<vmem>>
      %dma_wait3A_608 = tpu.memref_squeeze %dma_wait3A_607 : memref<1x128xi32, #tpu.memory_space<vmem>> -> memref<128xi32, #tpu.memory_space<vmem>>
      %dma_wait3A_609 = arith.constant 0 : i32
      %dma_wait3A_610 = arith.constant 0 : i32
      %dma_wait3A_611 = tpu.memref_slice %arg3[%dma_wait3A_609, %dma_wait3A_610] : memref<1000000x64xf32, #tpu.memory_space<hbm>> -> memref<1000000x64xf32, #tpu.memory_space<hbm>>
      tpu.wait_indirect_dma semaphore(%arg24 : memref<!tpu.dma_semaphore, #tpu.memory_space<semaphore_mem>>) src(%dma_wait3A_611 : memref<1000000x64xf32, #tpu.memory_space<hbm>>) dst(%arg15 : memref<128x64xf32, #tpu.memory_space<vmem>>)
      %add3A_612 = arith.constant 6 : i32
      %add3A_613 = arith.addi %add3A_112, %add3A_612 : i32
      %jit3A_614 = arith.constant 50 : i32
      %div3A_615 = arith.divsi %add3A_613, %jit3A_614 : i32
      %sign3A_616 = arith.constant 0 : i32
      %sign3A_617 = arith.cmpi sgt, %add3A_613, %sign3A_616 : i32
      %sign3A_618 = arith.extui %sign3A_617 : i1 to i32
      %sign3A_619 = arith.constant 0 : i32
      %sign3A_620 = arith.cmpi slt, %add3A_613, %sign3A_619 : i32
      %sign3A_621 = arith.extui %sign3A_620 : i1 to i32
      %sign3A_622 = arith.subi %sign3A_618, %sign3A_621 : i32
      %sign3A_623 = arith.constant 0 : i32
      %sign3A_624 = arith.cmpi sgt, %jit3A_614, %sign3A_623 : i32
      %sign3A_625 = arith.extui %sign3A_624 : i1 to i32
      %sign3A_626 = arith.constant 0 : i32
      %sign3A_627 = arith.cmpi slt, %jit3A_614, %sign3A_626 : i32
      %sign3A_628 = arith.extui %sign3A_627 : i1 to i32
      %sign3A_629 = arith.subi %sign3A_625, %sign3A_628 : i32
      %ne3A_630 = arith.cmpi ne, %sign3A_622, %sign3A_629 : i32
      %rem3A_631 = arith.remsi %add3A_613, %jit3A_614 : i32
      %ne3A_632 = arith.constant 0 : i32
      %ne3A_633 = arith.cmpi ne, %rem3A_631, %ne3A_632 : i32
      %and3A_634 = arith.andi %ne3A_630, %ne3A_633 : i1
      %sub3A_635 = arith.constant 1 : i32
      %sub3A_636 = arith.subi %div3A_615, %sub3A_635 : i32
      %select_n3A_637 = arith.select %and3A_634, %sub3A_636, %div3A_615 : i32
      %dma_start3A_638 = arith.constant 0 : i32
      %dma_start3A_639 = tpu.memref_slice %arg8[%select_n3A_637, %dma_start3A_638] : memref<4x128xi32, #tpu.memory_space<vmem>> -> memref<1x128xi32, #tpu.memory_space<vmem>>
      %dma_start3A_640 = tpu.memref_squeeze %dma_start3A_639 : memref<1x128xi32, #tpu.memory_space<vmem>> -> memref<128xi32, #tpu.memory_space<vmem>>
      %dma_start3A_641 = arith.constant 0 : i32
      %dma_start3A_642 = arith.constant 0 : i32
      %dma_start3A_643 = tpu.memref_slice %arg17[%dma_start3A_641, %dma_start3A_642] : memref<8192x64xf32, #tpu.memory_space<vmem_shared>> -> memref<8192x64xf32, #tpu.memory_space<vmem_shared>>
      tpu.enqueue_indirect_dma source(%arg15 : memref<128x64xf32, #tpu.memory_space<vmem>>) target(%dma_start3A_643 : memref<8192x64xf32, #tpu.memory_space<vmem_shared>>) offsets(%dma_start3A_640 : memref<128xi32, #tpu.memory_space<vmem>>) semaphore(%arg32 : memref<!tpu.dma_semaphore, #tpu.memory_space<semaphore_mem>>) {add = true}
      %add3A_644 = arith.constant 6 : i32
      %add3A_645 = arith.addi %add3A_112, %add3A_644 : i32
      %add3A_646 = arith.constant 8 : i32
      %add3A_647 = arith.addi %add3A_645, %add3A_646 : i32
      %sub3A_648 = arith.constant 1 : i32
      %sub3A_649 = arith.subi %add3A_647, %sub3A_648 : i32
      %lt3A_650 = arith.constant 200 : i32
      %lt3A_651 = arith.cmpi slt, %sub3A_649, %lt3A_650 : i32
      %convert_element_type3A_652 = arith.extui %lt3A_651 : i1 to i32
      %cond3A_653 = arith.constant 0 : i32
      %cond3A_654 = arith.cmpi ne, %convert_element_type3A_652, %cond3A_653 : i32
      scf.if %cond3A_654 {
        %add3A_734 = arith.constant 6 : i32
        %add3A_735 = arith.addi %add3A_112, %add3A_734 : i32
        %gt3A = arith.constant 0 : i32
        %gt3A_736 = arith.cmpi sgt, %add3A_735, %gt3A : i32
        %convert_element_type3A_737 = arith.extui %gt3A_736 : i1 to i32
        %cond3A_738 = arith.constant 0 : i32
        %cond3A_739 = arith.cmpi ne, %convert_element_type3A_737, %cond3A_738 : i32
        scf.if %cond3A_739 {
          %mul3A_780 = arith.constant 512 : i32
          %mul3A_781 = arith.muli %arg1, %mul3A_780 : i32
          %dma_wait3A_782 = arith.constant 0 : i32
          %dma_wait3A_783 = tpu.memref_slice %arg17[%mul3A_781, %dma_wait3A_782] : memref<8192x64xf32, #tpu.memory_space<vmem_shared>> -> memref<128x64xf32, #tpu.memory_space<vmem_shared>>
          %dma_wait3A_784 = arith.constant 0 : i32
          %dma_wait3A_785 = tpu.memref_slice %arg17[%mul3A_781, %dma_wait3A_784] : memref<8192x64xf32, #tpu.memory_space<vmem_shared>> -> memref<128x64xf32, #tpu.memory_space<vmem_shared>>
          tpu.wait_dma2 semaphore(%arg31 : memref<!tpu.dma_semaphore, #tpu.memory_space<semaphore_mem>>) src(%arg14 : memref<128x64xf32, #tpu.memory_space<vmem>>) dst(%dma_wait3A_785 : memref<128x64xf32, #tpu.memory_space<vmem_shared>>)
        } else {
        }
        %add3A_740 = arith.constant 6 : i32
        %add3A_741 = arith.addi %add3A_112, %add3A_740 : i32
        %add3A_742 = arith.constant 8 : i32
        %add3A_743 = arith.addi %add3A_741, %add3A_742 : i32
        %sub3A_744 = arith.constant 1 : i32
        %sub3A_745 = arith.subi %add3A_743, %sub3A_744 : i32
        %jit3A_746 = arith.constant 50 : i32
        %div3A_747 = arith.divsi %sub3A_745, %jit3A_746 : i32
        %sign3A_748 = arith.constant 0 : i32
        %sign3A_749 = arith.cmpi sgt, %sub3A_745, %sign3A_748 : i32
        %sign3A_750 = arith.extui %sign3A_749 : i1 to i32
        %sign3A_751 = arith.constant 0 : i32
        %sign3A_752 = arith.cmpi slt, %sub3A_745, %sign3A_751 : i32
        %sign3A_753 = arith.extui %sign3A_752 : i1 to i32
        %sign3A_754 = arith.subi %sign3A_750, %sign3A_753 : i32
        %sign3A_755 = arith.constant 0 : i32
        %sign3A_756 = arith.cmpi sgt, %jit3A_746, %sign3A_755 : i32
        %sign3A_757 = arith.extui %sign3A_756 : i1 to i32
        %sign3A_758 = arith.constant 0 : i32
        %sign3A_759 = arith.cmpi slt, %jit3A_746, %sign3A_758 : i32
        %sign3A_760 = arith.extui %sign3A_759 : i1 to i32
        %sign3A_761 = arith.subi %sign3A_757, %sign3A_760 : i32
        %ne3A_762 = arith.cmpi ne, %sign3A_754, %sign3A_761 : i32
        %rem3A_763 = arith.remsi %sub3A_745, %jit3A_746 : i32
        %ne3A_764 = arith.constant 0 : i32
        %ne3A_765 = arith.cmpi ne, %rem3A_763, %ne3A_764 : i32
        %and3A_766 = arith.andi %ne3A_762, %ne3A_765 : i1
        %sub3A_767 = arith.constant 1 : i32
        %sub3A_768 = arith.subi %div3A_747, %sub3A_767 : i32
        %select_n3A_769 = arith.select %and3A_766, %sub3A_768, %div3A_747 : i32
        %mul3A_770 = arith.constant 50 : i32
        %mul3A_771 = arith.muli %select_n3A_769, %mul3A_770 : i32
        %sub3A_772 = arith.subi %sub3A_745, %mul3A_771 : i32
        %mul3A_773 = arith.constant 128 : i32
        %mul3A_774 = arith.muli %select_n3A_769, %mul3A_773 : i32
        %dma_start3A_775 = tpu.memref_slice %arg7[%sub3A_772, %mul3A_774] : memref<50x512xi32, #tpu.memory_space<vmem>> -> memref<1x128xi32, #tpu.memory_space<vmem>>
        %dma_start3A_776 = tpu.memref_squeeze %dma_start3A_775 : memref<1x128xi32, #tpu.memory_space<vmem>> -> memref<128xi32, #tpu.memory_space<vmem>>
        %dma_start3A_777 = arith.constant 0 : i32
        %dma_start3A_778 = arith.constant 0 : i32
        %dma_start3A_779 = tpu.memref_slice %arg3[%dma_start3A_777, %dma_start3A_778] : memref<1000000x64xf32, #tpu.memory_space<hbm>> -> memref<1000000x64xf32, #tpu.memory_space<hbm>>
        tpu.enqueue_indirect_dma source(%dma_start3A_779 : memref<1000000x64xf32, #tpu.memory_space<hbm>>) target(%arg14 : memref<128x64xf32, #tpu.memory_space<vmem>>) offsets(%dma_start3A_776 : memref<128xi32, #tpu.memory_space<vmem>>) semaphore(%arg23 : memref<!tpu.dma_semaphore, #tpu.memory_space<semaphore_mem>>)
      } else {
      }
      %add3A_655 = arith.constant 7 : i32
      %add3A_656 = arith.addi %add3A_112, %add3A_655 : i32
      %jit3A_657 = arith.constant 50 : i32
      %div3A_658 = arith.divsi %add3A_656, %jit3A_657 : i32
      %sign3A_659 = arith.constant 0 : i32
      %sign3A_660 = arith.cmpi sgt, %add3A_656, %sign3A_659 : i32
      %sign3A_661 = arith.extui %sign3A_660 : i1 to i32
      %sign3A_662 = arith.constant 0 : i32
      %sign3A_663 = arith.cmpi slt, %add3A_656, %sign3A_662 : i32
      %sign3A_664 = arith.extui %sign3A_663 : i1 to i32
      %sign3A_665 = arith.subi %sign3A_661, %sign3A_664 : i32
      %sign3A_666 = arith.constant 0 : i32
      %sign3A_667 = arith.cmpi sgt, %jit3A_657, %sign3A_666 : i32
      %sign3A_668 = arith.extui %sign3A_667 : i1 to i32
      %sign3A_669 = arith.constant 0 : i32
      %sign3A_670 = arith.cmpi slt, %jit3A_657, %sign3A_669 : i32
      %sign3A_671 = arith.extui %sign3A_670 : i1 to i32
      %sign3A_672 = arith.subi %sign3A_668, %sign3A_671 : i32
      %ne3A_673 = arith.cmpi ne, %sign3A_665, %sign3A_672 : i32
      %rem3A_674 = arith.remsi %add3A_656, %jit3A_657 : i32
      %ne3A_675 = arith.constant 0 : i32
      %ne3A_676 = arith.cmpi ne, %rem3A_674, %ne3A_675 : i32
      %and3A_677 = arith.andi %ne3A_673, %ne3A_676 : i1
      %sub3A_678 = arith.constant 1 : i32
      %sub3A_679 = arith.subi %div3A_658, %sub3A_678 : i32
      %select_n3A_680 = arith.select %and3A_677, %sub3A_679, %div3A_658 : i32
      %mul3A_681 = arith.constant 50 : i32
      %mul3A_682 = arith.muli %select_n3A_680, %mul3A_681 : i32
      %sub3A_683 = arith.subi %add3A_656, %mul3A_682 : i32
      %mul3A_684 = arith.constant 128 : i32
      %mul3A_685 = arith.muli %select_n3A_680, %mul3A_684 : i32
      %dma_wait3A_686 = tpu.memref_slice %arg7[%sub3A_683, %mul3A_685] : memref<50x512xi32, #tpu.memory_space<vmem>> -> memref<1x128xi32, #tpu.memory_space<vmem>>
      %dma_wait3A_687 = tpu.memref_squeeze %dma_wait3A_686 : memref<1x128xi32, #tpu.memory_space<vmem>> -> memref<128xi32, #tpu.memory_space<vmem>>
      %dma_wait3A_688 = arith.constant 0 : i32
      %dma_wait3A_689 = arith.constant 0 : i32
      %dma_wait3A_690 = tpu.memref_slice %arg3[%dma_wait3A_688, %dma_wait3A_689] : memref<1000000x64xf32, #tpu.memory_space<hbm>> -> memref<1000000x64xf32, #tpu.memory_space<hbm>>
      tpu.wait_indirect_dma semaphore(%arg25 : memref<!tpu.dma_semaphore, #tpu.memory_space<semaphore_mem>>) src(%dma_wait3A_690 : memref<1000000x64xf32, #tpu.memory_space<hbm>>) dst(%arg16 : memref<128x64xf32, #tpu.memory_space<vmem>>)
      %add3A_691 = arith.constant 7 : i32
      %add3A_692 = arith.addi %add3A_112, %add3A_691 : i32
      %jit3A_693 = arith.constant 50 : i32
      %div3A_694 = arith.divsi %add3A_692, %jit3A_693 : i32
      %sign3A_695 = arith.constant 0 : i32
      %sign3A_696 = arith.cmpi sgt, %add3A_692, %sign3A_695 : i32
      %sign3A_697 = arith.extui %sign3A_696 : i1 to i32
      %sign3A_698 = arith.constant 0 : i32
      %sign3A_699 = arith.cmpi slt, %add3A_692, %sign3A_698 : i32
      %sign3A_700 = arith.extui %sign3A_699 : i1 to i32
      %sign3A_701 = arith.subi %sign3A_697, %sign3A_700 : i32
      %sign3A_702 = arith.constant 0 : i32
      %sign3A_703 = arith.cmpi sgt, %jit3A_693, %sign3A_702 : i32
      %sign3A_704 = arith.extui %sign3A_703 : i1 to i32
      %sign3A_705 = arith.constant 0 : i32
      %sign3A_706 = arith.cmpi slt, %jit3A_693, %sign3A_705 : i32
      %sign3A_707 = arith.extui %sign3A_706 : i1 to i32
      %sign3A_708 = arith.subi %sign3A_704, %sign3A_707 : i32
      %ne3A_709 = arith.cmpi ne, %sign3A_701, %sign3A_708 : i32
      %rem3A_710 = arith.remsi %add3A_692, %jit3A_693 : i32
      %ne3A_711 = arith.constant 0 : i32
      %ne3A_712 = arith.cmpi ne, %rem3A_710, %ne3A_711 : i32
      %and3A_713 = arith.andi %ne3A_709, %ne3A_712 : i1
      %sub3A_714 = arith.constant 1 : i32
      %sub3A_715 = arith.subi %div3A_694, %sub3A_714 : i32
      %select_n3A_716 = arith.select %and3A_713, %sub3A_715, %div3A_694 : i32
      %dma_start3A_717 = arith.constant 0 : i32
      %dma_start3A_718 = tpu.memref_slice %arg8[%select_n3A_716, %dma_start3A_717] : memref<4x128xi32, #tpu.memory_space<vmem>> -> memref<1x128xi32, #tpu.memory_space<vmem>>
      %dma_start3A_719 = tpu.memref_squeeze %dma_start3A_718 : memref<1x128xi32, #tpu.memory_space<vmem>> -> memref<128xi32, #tpu.memory_space<vmem>>
      %dma_start3A_720 = arith.constant 0 : i32
      %dma_start3A_721 = arith.constant 0 : i32
      %dma_start3A_722 = tpu.memref_slice %arg17[%dma_start3A_720, %dma_start3A_721] : memref<8192x64xf32, #tpu.memory_space<vmem_shared>> -> memref<8192x64xf32, #tpu.memory_space<vmem_shared>>
      tpu.enqueue_indirect_dma source(%arg16 : memref<128x64xf32, #tpu.memory_space<vmem>>) target(%dma_start3A_722 : memref<8192x64xf32, #tpu.memory_space<vmem_shared>>) offsets(%dma_start3A_719 : memref<128xi32, #tpu.memory_space<vmem>>) semaphore(%arg33 : memref<!tpu.dma_semaphore, #tpu.memory_space<semaphore_mem>>) {add = true}
      %add3A_723 = arith.constant 7 : i32
      %add3A_724 = arith.addi %add3A_112, %add3A_723 : i32
      %add3A_725 = arith.constant 8 : i32
      %add3A_726 = arith.addi %add3A_724, %add3A_725 : i32
      %sub3A_727 = arith.constant 1 : i32
      %sub3A_728 = arith.subi %add3A_726, %sub3A_727 : i32
      %lt3A_729 = arith.constant 200 : i32
      %lt3A_730 = arith.cmpi slt, %sub3A_728, %lt3A_729 : i32
      %convert_element_type3A_731 = arith.extui %lt3A_730 : i1 to i32
      %cond3A_732 = arith.constant 0 : i32
      %cond3A_733 = arith.cmpi ne, %convert_element_type3A_731, %cond3A_732 : i32
      scf.if %cond3A_733 {
        %add3A_734 = arith.constant 7 : i32
        %add3A_735 = arith.addi %add3A_112, %add3A_734 : i32
        %gt3A = arith.constant 0 : i32
        %gt3A_736 = arith.cmpi sgt, %add3A_735, %gt3A : i32
        %convert_element_type3A_737 = arith.extui %gt3A_736 : i1 to i32
        %cond3A_738 = arith.constant 0 : i32
        %cond3A_739 = arith.cmpi ne, %convert_element_type3A_737, %cond3A_738 : i32
        scf.if %cond3A_739 {
          %mul3A_780 = arith.constant 512 : i32
          %mul3A_781 = arith.muli %arg1, %mul3A_780 : i32
          %dma_wait3A_782 = arith.constant 0 : i32
          %dma_wait3A_783 = tpu.memref_slice %arg17[%mul3A_781, %dma_wait3A_782] : memref<8192x64xf32, #tpu.memory_space<vmem_shared>> -> memref<128x64xf32, #tpu.memory_space<vmem_shared>>
          %dma_wait3A_784 = arith.constant 0 : i32
          %dma_wait3A_785 = tpu.memref_slice %arg17[%mul3A_781, %dma_wait3A_784] : memref<8192x64xf32, #tpu.memory_space<vmem_shared>> -> memref<128x64xf32, #tpu.memory_space<vmem_shared>>
          tpu.wait_dma2 semaphore(%arg32 : memref<!tpu.dma_semaphore, #tpu.memory_space<semaphore_mem>>) src(%arg15 : memref<128x64xf32, #tpu.memory_space<vmem>>) dst(%dma_wait3A_785 : memref<128x64xf32, #tpu.memory_space<vmem_shared>>)
        } else {
        }
        %add3A_740 = arith.constant 7 : i32
        %add3A_741 = arith.addi %add3A_112, %add3A_740 : i32
        %add3A_742 = arith.constant 8 : i32
        %add3A_743 = arith.addi %add3A_741, %add3A_742 : i32
        %sub3A_744 = arith.constant 1 : i32
        %sub3A_745 = arith.subi %add3A_743, %sub3A_744 : i32
        %jit3A_746 = arith.constant 50 : i32
        %div3A_747 = arith.divsi %sub3A_745, %jit3A_746 : i32
        %sign3A_748 = arith.constant 0 : i32
        %sign3A_749 = arith.cmpi sgt, %sub3A_745, %sign3A_748 : i32
        %sign3A_750 = arith.extui %sign3A_749 : i1 to i32
        %sign3A_751 = arith.constant 0 : i32
        %sign3A_752 = arith.cmpi slt, %sub3A_745, %sign3A_751 : i32
        %sign3A_753 = arith.extui %sign3A_752 : i1 to i32
        %sign3A_754 = arith.subi %sign3A_750, %sign3A_753 : i32
        %sign3A_755 = arith.constant 0 : i32
        %sign3A_756 = arith.cmpi sgt, %jit3A_746, %sign3A_755 : i32
        %sign3A_757 = arith.extui %sign3A_756 : i1 to i32
        %sign3A_758 = arith.constant 0 : i32
        %sign3A_759 = arith.cmpi slt, %jit3A_746, %sign3A_758 : i32
        %sign3A_760 = arith.extui %sign3A_759 : i1 to i32
        %sign3A_761 = arith.subi %sign3A_757, %sign3A_760 : i32
        %ne3A_762 = arith.cmpi ne, %sign3A_754, %sign3A_761 : i32
        %rem3A_763 = arith.remsi %sub3A_745, %jit3A_746 : i32
        %ne3A_764 = arith.constant 0 : i32
        %ne3A_765 = arith.cmpi ne, %rem3A_763, %ne3A_764 : i32
        %and3A_766 = arith.andi %ne3A_762, %ne3A_765 : i1
        %sub3A_767 = arith.constant 1 : i32
        %sub3A_768 = arith.subi %div3A_747, %sub3A_767 : i32
        %select_n3A_769 = arith.select %and3A_766, %sub3A_768, %div3A_747 : i32
        %mul3A_770 = arith.constant 50 : i32
        %mul3A_771 = arith.muli %select_n3A_769, %mul3A_770 : i32
        %sub3A_772 = arith.subi %sub3A_745, %mul3A_771 : i32
        %mul3A_773 = arith.constant 128 : i32
        %mul3A_774 = arith.muli %select_n3A_769, %mul3A_773 : i32
        %dma_start3A_775 = tpu.memref_slice %arg7[%sub3A_772, %mul3A_774] : memref<50x512xi32, #tpu.memory_space<vmem>> -> memref<1x128xi32, #tpu.memory_space<vmem>>
        %dma_start3A_776 = tpu.memref_squeeze %dma_start3A_775 : memref<1x128xi32, #tpu.memory_space<vmem>> -> memref<128xi32, #tpu.memory_space<vmem>>
        %dma_start3A_777 = arith.constant 0 : i32
        %dma_start3A_778 = arith.constant 0 : i32
        %dma_start3A_779 = tpu.memref_slice %arg3[%dma_start3A_777, %dma_start3A_778] : memref<1000000x64xf32, #tpu.memory_space<hbm>> -> memref<1000000x64xf32, #tpu.memory_space<hbm>>
        tpu.enqueue_indirect_dma source(%dma_start3A_779 : memref<1000000x64xf32, #tpu.memory_space<hbm>>) target(%arg15 : memref<128x64xf32, #tpu.memory_space<vmem>>) offsets(%dma_start3A_776 : memref<128xi32, #tpu.memory_space<vmem>>) semaphore(%arg24 : memref<!tpu.dma_semaphore, #tpu.memory_space<semaphore_mem>>)
      } else {
      }
    }
    %scan3A_56 = arith.constant 25 : i32
    %mul3A_57 = arith.constant 512 : i32
    %mul3A_58 = arith.muli %arg1, %mul3A_57 : i32
    %dma_wait3A = arith.constant 0 : i32
    %dma_wait3A_59 = tpu.memref_slice %arg17[%mul3A_58, %dma_wait3A] : memref<8192x64xf32, #tpu.memory_space<vmem_shared>> -> memref<128x64xf32, #tpu.memory_space<vmem_shared>>
    %dma_wait3A_60 = arith.constant 0 : i32
    %dma_wait3A_61 = tpu.memref_slice %arg17[%mul3A_58, %dma_wait3A_60] : memref<8192x64xf32, #tpu.memory_space<vmem_shared>> -> memref<128x64xf32, #tpu.memory_space<vmem_shared>>
    tpu.wait_dma2 semaphore(%arg26 : memref<!tpu.dma_semaphore, #tpu.memory_space<semaphore_mem>>) src(%arg9 : memref<128x64xf32, #tpu.memory_space<vmem>>) dst(%dma_wait3A_61 : memref<128x64xf32, #tpu.memory_space<vmem_shared>>)
    %mul3A_62 = arith.constant 512 : i32
    %mul3A_63 = arith.muli %arg1, %mul3A_62 : i32
    %dma_wait3A_64 = arith.constant 0 : i32
    %dma_wait3A_65 = tpu.memref_slice %arg17[%mul3A_63, %dma_wait3A_64] : memref<8192x64xf32, #tpu.memory_space<vmem_shared>> -> memref<128x64xf32, #tpu.memory_space<vmem_shared>>
    %dma_wait3A_66 = arith.constant 0 : i32
    %dma_wait3A_67 = tpu.memref_slice %arg17[%mul3A_63, %dma_wait3A_66] : memref<8192x64xf32, #tpu.memory_space<vmem_shared>> -> memref<128x64xf32, #tpu.memory_space<vmem_shared>>
    tpu.wait_dma2 semaphore(%arg27 : memref<!tpu.dma_semaphore, #tpu.memory_space<semaphore_mem>>) src(%arg10 : memref<128x64xf32, #tpu.memory_space<vmem>>) dst(%dma_wait3A_67 : memref<128x64xf32, #tpu.memory_space<vmem_shared>>)
    %mul3A_68 = arith.constant 512 : i32
    %mul3A_69 = arith.muli %arg1, %mul3A_68 : i32
    %dma_wait3A_70 = arith.constant 0 : i32
    %dma_wait3A_71 = tpu.memref_slice %arg17[%mul3A_69, %dma_wait3A_70] : memref<8192x64xf32, #tpu.memory_space<vmem_shared>> -> memref<128x64xf32, #tpu.memory_space<vmem_shared>>
    %dma_wait3A_72 = arith.constant 0 : i32
    %dma_wait3A_73 = tpu.memref_slice %arg17[%mul3A_69, %dma_wait3A_72] : memref<8192x64xf32, #tpu.memory_space<vmem_shared>> -> memref<128x64xf32, #tpu.memory_space<vmem_shared>>
    tpu.wait_dma2 semaphore(%arg28 : memref<!tpu.dma_semaphore, #tpu.memory_space<semaphore_mem>>) src(%arg11 : memref<128x64xf32, #tpu.memory_space<vmem>>) dst(%dma_wait3A_73 : memref<128x64xf32, #tpu.memory_space<vmem_shared>>)
    %mul3A_74 = arith.constant 512 : i32
    %mul3A_75 = arith.muli %arg1, %mul3A_74 : i32
    %dma_wait3A_76 = arith.constant 0 : i32
    %dma_wait3A_77 = tpu.memref_slice %arg17[%mul3A_75, %dma_wait3A_76] : memref<8192x64xf32, #tpu.memory_space<vmem_shared>> -> memref<128x64xf32, #tpu.memory_space<vmem_shared>>
    %dma_wait3A_78 = arith.constant 0 : i32
    %dma_wait3A_79 = tpu.memref_slice %arg17[%mul3A_75, %dma_wait3A_78] : memref<8192x64xf32, #tpu.memory_space<vmem_shared>> -> memref<128x64xf32, #tpu.memory_space<vmem_shared>>
    tpu.wait_dma2 semaphore(%arg29 : memref<!tpu.dma_semaphore, #tpu.memory_space<semaphore_mem>>) src(%arg12 : memref<128x64xf32, #tpu.memory_space<vmem>>) dst(%dma_wait3A_79 : memref<128x64xf32, #tpu.memory_space<vmem_shared>>)
    %mul3A_80 = arith.constant 512 : i32
    %mul3A_81 = arith.muli %arg1, %mul3A_80 : i32
    %dma_wait3A_82 = arith.constant 0 : i32
    %dma_wait3A_83 = tpu.memref_slice %arg17[%mul3A_81, %dma_wait3A_82] : memref<8192x64xf32, #tpu.memory_space<vmem_shared>> -> memref<128x64xf32, #tpu.memory_space<vmem_shared>>
    %dma_wait3A_84 = arith.constant 0 : i32
    %dma_wait3A_85 = tpu.memref_slice %arg17[%mul3A_81, %dma_wait3A_84] : memref<8192x64xf32, #tpu.memory_space<vmem_shared>> -> memref<128x64xf32, #tpu.memory_space<vmem_shared>>
    tpu.wait_dma2 semaphore(%arg30 : memref<!tpu.dma_semaphore, #tpu.memory_space<semaphore_mem>>) src(%arg13 : memref<128x64xf32, #tpu.memory_space<vmem>>) dst(%dma_wait3A_85 : memref<128x64xf32, #tpu.memory_space<vmem_shared>>)
    %mul3A_86 = arith.constant 512 : i32
    %mul3A_87 = arith.muli %arg1, %mul3A_86 : i32
    %dma_wait3A_88 = arith.constant 0 : i32
    %dma_wait3A_89 = tpu.memref_slice %arg17[%mul3A_87, %dma_wait3A_88] : memref<8192x64xf32, #tpu.memory_space<vmem_shared>> -> memref<128x64xf32, #tpu.memory_space<vmem_shared>>
    %dma_wait3A_90 = arith.constant 0 : i32
    %dma_wait3A_91 = tpu.memref_slice %arg17[%mul3A_87, %dma_wait3A_90] : memref<8192x64xf32, #tpu.memory_space<vmem_shared>> -> memref<128x64xf32, #tpu.memory_space<vmem_shared>>
    tpu.wait_dma2 semaphore(%arg31 : memref<!tpu.dma_semaphore, #tpu.memory_space<semaphore_mem>>) src(%arg14 : memref<128x64xf32, #tpu.memory_space<vmem>>) dst(%dma_wait3A_91 : memref<128x64xf32, #tpu.memory_space<vmem_shared>>)
    %mul3A_92 = arith.constant 512 : i32
    %mul3A_93 = arith.muli %arg1, %mul3A_92 : i32
    %dma_wait3A_94 = arith.constant 0 : i32
    %dma_wait3A_95 = tpu.memref_slice %arg17[%mul3A_93, %dma_wait3A_94] : memref<8192x64xf32, #tpu.memory_space<vmem_shared>> -> memref<128x64xf32, #tpu.memory_space<vmem_shared>>
    %dma_wait3A_96 = arith.constant 0 : i32
    %dma_wait3A_97 = tpu.memref_slice %arg17[%mul3A_93, %dma_wait3A_96] : memref<8192x64xf32, #tpu.memory_space<vmem_shared>> -> memref<128x64xf32, #tpu.memory_space<vmem_shared>>
    tpu.wait_dma2 semaphore(%arg32 : memref<!tpu.dma_semaphore, #tpu.memory_space<semaphore_mem>>) src(%arg15 : memref<128x64xf32, #tpu.memory_space<vmem>>) dst(%dma_wait3A_97 : memref<128x64xf32, #tpu.memory_space<vmem_shared>>)
    %mul3A_98 = arith.constant 512 : i32
    %mul3A_99 = arith.muli %arg1, %mul3A_98 : i32
    %dma_wait3A_100 = arith.constant 0 : i32
    %dma_wait3A_101 = tpu.memref_slice %arg17[%mul3A_99, %dma_wait3A_100] : memref<8192x64xf32, #tpu.memory_space<vmem_shared>> -> memref<128x64xf32, #tpu.memory_space<vmem_shared>>
    %dma_wait3A_102 = arith.constant 0 : i32
    %dma_wait3A_103 = tpu.memref_slice %arg17[%mul3A_99, %dma_wait3A_102] : memref<8192x64xf32, #tpu.memory_space<vmem_shared>> -> memref<128x64xf32, #tpu.memory_space<vmem_shared>>
    tpu.wait_dma2 semaphore(%arg33 : memref<!tpu.dma_semaphore, #tpu.memory_space<semaphore_mem>>) src(%arg16 : memref<128x64xf32, #tpu.memory_space<vmem>>) dst(%dma_wait3A_103 : memref<128x64xf32, #tpu.memory_space<vmem_shared>>)
    %mul3A_104 = arith.constant 512 : i32
    %mul3A_105 = arith.muli %arg1, %mul3A_104 : i32
    %mul3A_106 = arith.constant 512 : i32
    %mul3A_107 = arith.muli %add3A, %mul3A_106 : i32
    "tpu.region"() ({
      %run_scoped3A = tpu.sem_alloc : memref<!tpu.dma_semaphore, #tpu.memory_space<semaphore_mem>>
      %dma_start3A_108 = arith.constant 0 : i32
      %dma_start3A_109 = tpu.memref_slice %arg6[%mul3A_107, %dma_start3A_108] : memref<16384x64xf32, #tpu.memory_space<hbm>> -> memref<512x64xf32, #tpu.memory_space<hbm>>
      %dma_start3A_110 = arith.constant 0 : i32
      %dma_start3A_111 = tpu.memref_slice %arg17[%mul3A_105, %dma_start3A_110] : memref<8192x64xf32, #tpu.memory_space<vmem_shared>> -> memref<512x64xf32, #tpu.memory_space<vmem_shared>>
      tpu.enqueue_dma source(%dma_start3A_111 : memref<512x64xf32, #tpu.memory_space<vmem_shared>>) target(%dma_start3A_109 : memref<512x64xf32, #tpu.memory_space<hbm>>) target_semaphore(%run_scoped3A : memref<!tpu.dma_semaphore, #tpu.memory_space<semaphore_mem>>)
      %dma_wait3A_112 = arith.constant 0 : i32
      %dma_wait3A_113 = tpu.memref_slice %arg6[%mul3A_107, %dma_wait3A_112] : memref<16384x64xf32, #tpu.memory_space<hbm>> -> memref<512x64xf32, #tpu.memory_space<hbm>>
      %dma_wait3A_114 = arith.constant 0 : i32
      %dma_wait3A_115 = tpu.memref_slice %arg17[%mul3A_105, %dma_wait3A_114] : memref<8192x64xf32, #tpu.memory_space<vmem_shared>> -> memref<512x64xf32, #tpu.memory_space<vmem_shared>>
      tpu.wait_dma2 semaphore(%run_scoped3A : memref<!tpu.dma_semaphore, #tpu.memory_space<semaphore_mem>>) src(%dma_wait3A_115 : memref<512x64xf32, #tpu.memory_space<vmem_shared>>) dst(%dma_wait3A_113 : memref<512x64xf32, #tpu.memory_space<hbm>>)
      tpu.yield
    }) : () -> ()
    return
  }
}

module attributes {stable_mosaic.version = 14 : i64} {
  func.func @_mlp_body(%arg0: i32, %arg1: memref<1024x64xf32, #tpu.memory_space<vmem>>, %arg2: memref<64x128xf32, #tpu.memory_space<vmem>>, %arg3: memref<1x128xf32, #tpu.memory_space<vmem>>, %arg4: memref<128x10xf32, #tpu.memory_space<vmem>>, %arg5: memref<1x10xf32, #tpu.memory_space<vmem>>, %arg6: memref<1024x10xf32, #tpu.memory_space<vmem>>) attributes {dimension_semantics = [#tpu.dimension_semantics<arbitrary>], iteration_bounds = array<i64: 16>, scalar_prefetch = 0 : i64, scratch_operands = 0 : i64, tpu.core_type = #tpu.core_type<tc>, window_params = [{transform_indices = @transform_0, window_bounds = array<i64: 1024, 64>}, {pipeline_mode = #tpu.pipeline_mode<synchronous>, transform_indices = @transform_1, window_bounds = array<i64: 64, 128>}, {pipeline_mode = #tpu.pipeline_mode<synchronous>, transform_indices = @transform_2, window_bounds = array<i64: 1, 128>}, {pipeline_mode = #tpu.pipeline_mode<synchronous>, transform_indices = @transform_3, window_bounds = array<i64: 128, 10>}, {pipeline_mode = #tpu.pipeline_mode<synchronous>, transform_indices = @transform_4, window_bounds = array<i64: 1, 10>}, {transform_indices = @transform_5, window_bounds = array<i64: 1024, 10>}]} {
    %get3A = arith.constant 0 : index
    %get3A_0 = arith.constant 0 : index
    %get3A_1 = vector.load %arg1[%get3A, %get3A_0] : memref<1024x64xf32, #tpu.memory_space<vmem>>, vector<1024x64xf32>
    %get3A_2 = arith.constant 0 : index
    %get3A_3 = arith.constant 0 : index
    %get3A_4 = vector.load %arg2[%get3A_2, %get3A_3] : memref<64x128xf32, #tpu.memory_space<vmem>>, vector<64x128xf32>
    %dot_general3A = arith.constant dense<0.000000e+00> : vector<1024x128xf32>
    %dot_general3A_5 = tpu.matmul %get3A_1, %get3A_4, %dot_general3A {dimension_numbers = #tpu.dot_dimension_numbers<[1], [0], [0], [1], [0, 0, 1, 1], [], []>, transpose_lhs_hint = false} : vector<1024x64xf32>, vector<64x128xf32>, vector<1024x128xf32> -> vector<1024x128xf32>
    %get3A_6 = arith.constant 0 : index
    %get3A_7 = arith.constant 0 : index
    %get3A_8 = vector.load %arg3[%get3A_6, %get3A_7] : memref<1x128xf32, #tpu.memory_space<vmem>>, vector<1x128xf32>
    %add3A = vector.broadcast %get3A_8 : vector<1x128xf32> to vector<1024x128xf32>
    %add3A_9 = arith.addf %dot_general3A_5, %add3A : vector<1024x128xf32>
    %max3A = arith.constant 0.000000e+00 : f32
    %max3A_10 = vector.broadcast %max3A : f32 to vector<1024x128xf32>
    %max3A_11 = arith.maximumf %add3A_9, %max3A_10 : vector<1024x128xf32>
    %get3A_12 = arith.constant 0 : index
    %get3A_13 = arith.constant 0 : index
    %get3A_14 = vector.load %arg4[%get3A_12, %get3A_13] : memref<128x10xf32, #tpu.memory_space<vmem>>, vector<128x10xf32>
    %dot_general3A_15 = arith.constant dense<0.000000e+00> : vector<1024x10xf32>
    %dot_general3A_16 = tpu.matmul %max3A_11, %get3A_14, %dot_general3A_15 {dimension_numbers = #tpu.dot_dimension_numbers<[1], [0], [0], [1], [0, 0, 1, 1], [], []>, transpose_lhs_hint = false} : vector<1024x128xf32>, vector<128x10xf32>, vector<1024x10xf32> -> vector<1024x10xf32>
    %get3A_17 = arith.constant 0 : index
    %get3A_18 = arith.constant 0 : index
    %get3A_19 = vector.load %arg5[%get3A_17, %get3A_18] : memref<1x10xf32, #tpu.memory_space<vmem>>, vector<1x10xf32>
    %add3A_20 = vector.broadcast %get3A_19 : vector<1x10xf32> to vector<1024x10xf32>
    %add3A_21 = arith.addf %dot_general3A_16, %add3A_20 : vector<1024x10xf32>
    %swap3A = arith.constant 0 : index
    %swap3A_22 = arith.constant 0 : index
    %swap3A_23 = vector.load %arg6[%swap3A, %swap3A_22] : memref<1024x10xf32, #tpu.memory_space<vmem>>, vector<1024x10xf32>
    tpu.vector_store %arg6[%swap3A, %swap3A_22], %add3A_21 {strides = array<i32>} : memref<1024x10xf32, #tpu.memory_space<vmem>>, vector<1024x10xf32>,
    return
  }
  func.func @transform_0(%arg0: i32) -> (i32, i32) {
    %c0_i32 = arith.constant 0 : i32
    %c0_i32_0 = arith.constant 0 : i32
    return %arg0, %c0_i32 : i32, i32
  }
  func.func @transform_1(%arg0: i32) -> (i32, i32) {
    %c0_i32 = arith.constant 0 : i32
    %c0_i32_0 = arith.constant 0 : i32
    %c0_i32_1 = arith.constant 0 : i32
    return %c0_i32, %c0_i32_0 : i32, i32
  }
  func.func @transform_2(%arg0: i32) -> (i32, i32) {
    %c0_i32 = arith.constant 0 : i32
    %c0_i32_0 = arith.constant 0 : i32
    %c0_i32_1 = arith.constant 0 : i32
    return %c0_i32, %c0_i32_0 : i32, i32
  }
  func.func @transform_3(%arg0: i32) -> (i32, i32) {
    %c0_i32 = arith.constant 0 : i32
    %c0_i32_0 = arith.constant 0 : i32
    %c0_i32_1 = arith.constant 0 : i32
    return %c0_i32, %c0_i32_0 : i32, i32
  }
  func.func @transform_4(%arg0: i32) -> (i32, i32) {
    %c0_i32 = arith.constant 0 : i32
    %c0_i32_0 = arith.constant 0 : i32
    %c0_i32_1 = arith.constant 0 : i32
    return %c0_i32, %c0_i32_0 : i32, i32
  }
  func.func @transform_5(%arg0: i32) -> (i32, i32) {
    %c0_i32 = arith.constant 0 : i32
    %c0_i32_0 = arith.constant 0 : i32
    return %arg0, %c0_i32 : i32, i32
  }
}

</mosaic_0001>

<sc_bundles>
// kernel: kernel.4.cloned.1.call-start
scs
__scs_entry_jumppad:
0x0: {  	(pc) =	sbr.rel $0x88, $3  }
0x1: {  	(tag) =	ssettag $0x0;
	lr =	simm.s32 $0x1  }
0x2: {  	[smem:$0x3F9B] =	sst lr;
	_ =	strace $0xD0000000  }
0x3: {  	_ = 	snop  }
0x4: {  	_ = 	snop  }
0x5: {  	_ = 	snop  }
0x6: {  	_ = 	snop  }
0x7: {  	_ = 	snop  }
__scs_overlays_trampoline_lowered:
0x8: {  	[smem:$0x3FAA] =	sst s0  }
0x9: {  	[smem:$0x3FAB] =	sst s1  }
0xa: {  	[smem:$0x3FAC] =	sst s2  }
0xb: {  	[smem:$0x3FAD] =	sst s3  }
0xc: {  	[smem:$0x3FAE] =	sst s4  }
0xd: {  	[smem:$0x3FAF] =	sst s5  }
0xe: {  	[smem:$0x3FB0] =	sst s6  }
0xf: {  	[smem:$0x3FB1] =	sst s7  }
0x10: {  	[smem:$0x3FB2] =	sst s8  }
0x11: {  	[smem:$0x3FB3] =	sst s9;
	s0 =	simm.s32 @!p0 $0x0  }
0x12: {  	s1 =	sld [smem:$0x3F99];
	s0 =	simm.s32 @p0 $0x1  }
0x13: {  	[smem:$0x3FB4] =	sst s0;
	s0 =	simm.s32 @!p1 $0x0  }
0x14: {  	s2 =	sld [smem:$0x3F98];
	s0 =	simm.s32 @p1 $0x1  }
0x15: {  	[smem:$0x3FB5] =	sst s0;
	s0 =	simm.s32 @!p2 $0x0  }
0x16: {  	s3 =	sld [smem:$0x3FDB];
	s0 =	simm.s32 @p2 $0x1  }
0x17: {  	s4 =	simm.s32 $0x1BF5;
	[smem:$0x3FB7] =	sst s0  }
0x18: {  	s0 =	sld [smem:$0x3F9A];
	_ =	swait.ge [sflag:s4], $0x0  }
0x19: {  	s7 =	sld [smem:$0x3F9B]  }
0x1a: {  	s8 =	sadd.s32 $0xFFFFE003, lr  }
0x1b: {  	s9 =	sadd.s32 $0xFFFFFEF7, lr;
	s5 =	simm.s32 $0xFFFFFFFF;
	p2 =	slt.u32 s8, $0xFFFFF086  }
0x1c: {  	p1 =	slt.u32 s9, $0xF7A;
	s5 =	simm.s32 @!p2 $0x0  }
0x1d: {  	s5 =	simm.s32 @p1 $0x1;
	p0 =	seq.s32 s7, s2  }
0x1e: {  	s7 =	smul.u32 @!p0 $0xF7A, s2;
	p2 =	seq.s32 @!p0 s5, $0x0  }
0x1f: {  	s9 =	smul.u32 $0xF7A, s1;
	s8 =	simm.s32 @!p0 $0x1BF5;
	p2 =	por !p2, p0  }
0x20: {  	[sflag:s8] =	ssyncset.s32 @!p0 $0xFFFFF086;
	s6 =	sadd.s32 @!p0 s3, s7;
	s7 =	simm.s32 @!p0 $0x108  }
0x21: {  	s3 =	sadd.s32 s3, s9;
	s6 =	sadd.s32 @!p0 $0x88, s6;
	s7 =	simm.s32 @p2 $0x1082  }
0x22: {  	[simem:s7], [sflag:s8] =	dma.local @!p0 [hbm:s6], $0xF7A  }
0x23: {  	s9 =	sor.u32 $0xD0000000, s2;
	s6 =	simm.s32 $0x108;
	_ =	swait.ge @!p0 [sflag:s8], $0x0  }
0x24: {  	s3 =	sadd.s32 $0x88, s3;
	s6 =	simm.s32 @!p1 $0x1082;
	[sflag:s4] =	ssyncset.s32 $0xFFFFF086  }
0x25: {  	[simem:s6], [sflag:s4] =	dma.local [hbm:s3], $0xF7A  }
0x26: {  	[smem:$0x3F9B] =	sst s1;
	(tag) =	ssettag s2;
	_ =	strace s9  }
0x27: {  	s1 =	sld [smem:$0x3FAB]  }
0x28: {  	s2 =	sld [smem:$0x3FAC]  }
0x29: {  	s4 =	sld [smem:$0x3FAE]  }
0x2a: {  	p0 =	seq.s32 s5, $0x0;
	s5 =	sld [smem:$0x3FAF]  }
0x2b: {  	s6 =	sld [smem:$0x3FB0]  }
0x2c: {  	s7 =	sld [smem:$0x3FB1]  }
0x2d: {  	s3 =	simm.s32 $0x108;
	s8 =	sld [smem:$0x3FB2]  }
0x2e: {  	s3 =	simm.s32 @!p0 $0x1082;
	s9 =	sld [smem:$0x3FB3]  }
0x2f: {  	lr =	sadd.s32 s0, s3;
	s0 =	sld [smem:$0x3FAA]  }
0x30: {  	s3 =	sld [smem:$0x3FAD]  }
0x31: {  	[smem:$0x3FB6] =	sst s10  }
0x32: {  	s10 =	sld [smem:$0x3FB4];
	_ =	sdelay $0x3  }
0x33: {  	p0 =	seq.s32 s10, $0x1;
	s10 =	sld [smem:$0x3FB6];
	_ =	sdelay $0x3  }
0x34: {  	[smem:$0x3FB6] =	sst s10  }
0x35: {  	s10 =	sld [smem:$0x3FB5];
	_ =	sdelay $0x3  }
0x36: {  	p1 =	seq.s32 s10, $0x1;
	s10 =	sld [smem:$0x3FB6];
	_ =	sdelay $0x3  }
0x37: {  	[smem:$0x3FB6] =	sst s10  }
0x38: {  	s10 =	sld [smem:$0x3FB7]  }
0x39: {  	_ = 	snop;
	(pc) =	sbr.ind lr, $3  }
0x3a: {  	_ = 	snop  }
0x3b: {  	_ = 	snop  }
0x3c: {  	p2 =	seq.s32 s10, $0x1;
	s10 =	sld [smem:$0x3FB6]  }
0x3d: {  	_ =	shalt  }
0x3e: {  	_ =	shalt  }
0x3f: {  	_ =	shalt  }
0x40: {  	_ =	shalt  }
0x41: {  	_ =	shalt  }
0x42: {  	_ =	shalt  }
0x43: {  	_ =	shalt  }
0x44: {  	_ =	shalt  }
0x45: {  	_ =	shalt  }
0x46: {  	_ =	shalt  }
0x47: {  	_ =	shalt  }
0x48: {  	_ =	shalt  }
0x49: {  	_ =	shalt  }
0x4a: {  	_ =	shalt  }
0x4b: {  	_ =	shalt  }
0x4c: {  	_ =	shalt  }
0x4d: {  	_ =	shalt  }
0x4e: {  	_ =	shalt  }
0x4f: {  	_ =	shalt  }
0x50: {  	_ =	shalt  }
0x51: {  	_ =	shalt  }
0x52: {  	_ =	shalt  }
0x53: {  	_ =	shalt  }
0x54: {  	_ =	shalt  }
0x55: {  	_ =	shalt  }
0x56: {  	_ =	shalt  }
0x57: {  	_ =	shalt  }
0x58: {  	_ =	shalt  }
0x59: {  	_ =	shalt  }
0x5a: {  	_ =	shalt  }
0x5b: {  	_ =	shalt  }
0x5c: {  	_ =	shalt  }
0x5d: {  	_ =	shalt  }
0x5e: {  	_ =	shalt  }
0x5f: {  	_ =	shalt  }
0x60: {  	_ =	shalt  }
0x61: {  	_ =	shalt  }
0x62: {  	_ =	shalt  }
0x63: {  	_ =	shalt  }
0x64: {  	_ =	shalt  }
0x65: {  	_ =	shalt  }
0x66: {  	_ =	shalt  }
0x67: {  	_ =	shalt  }
0x68: {  	_ =	shalt  }
0x69: {  	_ =	shalt  }
0x6a: {  	_ =	shalt  }
0x6b: {  	_ =	shalt  }
0x6c: {  	_ =	shalt  }
0x6d: {  	_ =	shalt  }
0x6e: {  	_ =	shalt  }
0x6f: {  	_ =	shalt  }
0x70: {  	_ =	shalt  }
0x71: {  	_ =	shalt  }
0x72: {  	_ =	shalt  }
0x73: {  	_ =	shalt  }
0x74: {  	_ =	shalt  }
0x75: {  	_ =	shalt  }
0x76: {  	_ =	shalt  }
0x77: {  	_ =	shalt  }
0x78: {  	_ =	shalt  }
0x79: {  	_ =	shalt  }
0x7a: {  	_ =	shalt  }
0x7b: {  	_ =	shalt  }
0x7c: {  	_ =	shalt  }
0x7d: {  	_ =	shalt  }
0x7e: {  	_ =	shalt  }
0x7f: {  	_ =	shalt  }
0x80: {  	_ =	shalt  }
0x81: {  	_ =	shalt  }
0x82: {  	_ =	shalt  }
0x83: {  	_ =	shalt  }
0x84: {  	_ =	shalt  }
0x85: {  	_ =	shalt  }
0x86: {  	_ =	shalt  }
0x87: {  	_ =	shalt  }
.Lfunc_end0:
.L_simem_size_0:
called_computation_lowered:
.L_overlay_start_0:
0x88: {  	s2 =	sld [smem:$0x3FD9]  }
0x89: {  	s3 =	sld [smem:$0x3FFE];
	_ =	sdelay $0x1  }
0x8a: {  	s1 =	srdreg.scid  }
0x8b: {  	s0 =	sand.u32 $0x1, s1  }
0x8c: {  	s17 =	sshll.u32 s0, $0xA;
	s2 =	sadd.s32 s3, s2  }
0x8d: {  	s2 =	sadd.s32 s2, s17  }
0x8e: {  	[smem:$0x3FC2] =	sst s2  }
0x8f: {  	_ = 	snop  }
0x90: {  	s2 =	sld [smem:$0x3FD0];
	(tm) =	ssettm $0x1  }
0x91: {  	s18 =	sld [smem:$0x3FFB];
	_ =	sdelay $0x3  }
0x92: {  	_ =	strace s18  }
0x93: {  	s3 =	sld [smem:$0x3FFC];
	_ =	sdelay $0x3  }
0x94: {  	_ =	strace s3  }
0x95: {  	s3 =	sld [smem:$0x3FFD];
	_ =	sdelay $0x3  }
0x96: {  	_ =	strace s3  }
0x97: {  	_ =	strace $0x8FFFFFFF  }
0x98: {  	s19 =	sld [smem:$0x3FDB];
	_ =	sdelay $0x1  }
0x99: {  	s4 =	simm.s32 $_scs_section_size  }
0x9a: {  	s5 =	simm.s32 $_size__tile_overlayer_lowered;
	s6 =	simm.s32 $_tile_overlayer_lowered  }
0x9b: {  	s22 =	simm.s32 $0x1BFF;
	s21 =	sshll.u32 s6, $0x1;
	s3 =	sadd.s32 s4, s19  }
0x9c: {  	s7 =	simm.s32 $0x0;
	s20 =	sshll.u32 s5, $0x1;
	s5 =	sadd.s32 s21, s3  }
0x9d: {  	[timem:s7], [sflag:s22] =	dma.local [hbm:s5], s20  }
0x9e: {  	_ =	swait.ge [sflag:s22], s20  }
0x9f: {  	s4 =	ssub.s32 $0x0, s20;
	[sflag:s22] =	ssyncset.done $0x0  }
0xa0: {  	[sflag:s22] =	ssyncadd.s32 s4;
	_ =	sdelay $0x1  }
0xa1: {  	s23 =	simm.s32 $0x1B8B  }
0xa2: {  	_ =	swait.ge [sflag:s23], $0x1  }
0xa3: {  	[sflag:s23] =	ssyncset.done $0x0  }
0xa4: {  	s25 =	simm.s32 $0x1B8E;
	s24 =	sld [smem:$0x3FFE];
	[sflag:s23] =	ssyncadd.s32 $0xFFFFFFFF  }
0xa5: {  	s26 =	simm.s32 $execute0_lowered;
	[smem:$0x3FD2] =	sst s25  }
0xa6: {  	s5 =	sshll.u32 s26, $0x1;
	_ =	strace $0x80000046;
	[dreg:$0x1] =	wrdreg $0xFFFFFFFF  }
0xa7: {  	s28 =	simm.s32 $_size_execute0_lowered;
	s3 =	sadd.s32 s3, s5;
	[dreg:$0x0] =	wrdreg $0x0  }
0xa8: {  	s5 =	sshll.u32 s28, $0x1;
	[dreg:$0x2] =	wrdreg s3  }
0xa9: {  	[dreg:$0x3] =	wrdreg s5  }
0xaa: {  	[dreg:$0x4] =	wrdreg $0xC0  }
0xab: {  	_ =	task [dreg:s7], $0x5FFFF  }
0xac: {  	[dreg:$0x1] =	wrdreg $0xFFFFFFFF  }
0xad: {  	[dreg:$0x0] =	wrdreg $0x60  }
0xae: {  	[dreg:$0x2] =	wrdreg s24  }
0xaf: {  	[dreg:$0x3] =	wrdreg s2  }
0xb0: {  	[dreg:$0x4] =	wrdreg $0x166000  }
0xb1: {  	[dreg:$0x5] =	wrdreg $0x9  }
0xb2: {  	_ =	task.clear_ibuf [dreg:s7], $0x6FFFF;
	_ =	strace $0x90000046  }
0xb3: {  	s29 =	simm.s32 $0x9;
	_ =	strace $0x80000048  }
0xb4: {  	_ =	swait.ge [sflag:s29], $0x1  }
0xb5: {  	[sflag:s29] =	ssyncadd.s32 $0xFFFFFFFF  }
0xb6: {  	_ =	strace $0x90000048  }
0xb7: {  	_ =	sfence  }
0xb8: {  	s30 =	sld [smem:$0x0];
	_ =	sdelay $0x2  }
0xb9: {  	s31 =	sshll.u32 s1, $0xD;
	s1 =	sshrl.u32 s1, $0x2  }
0xba: {  	s3 =	sand.u32 $0x4000, s31;
	s1 =	sadd.s32 s1, s30  }
0xbb: {  	s0 =	sor.u32 s3, s0;
	s1 =	sshll.u32 s1, $0x11  }
0xbc: {  	s0 =	sor.u32 s1, s0  }
0xbd: {  	s0 =	sadd.s32 $0x8F2B, s0  }
0xbe: {  	[sflag:s0] =	ssyncadd.remote.s32 $0x1  }
0xbf: {  	_ =	sfence.sel $0xFFFF  }
0xc0: {  	[dreg:$0x0] =	wrdreg $0xFFFFFFFF;
	(pc) =	sbr.abs _section_cstart, $3  }
0xc1: {  	[dreg:$0x1] =	wrdreg $0xFFFFFFFF  }
0xc2: {  	_ =	task.clear_ibuf [dreg:s7], $0x2FFFF;
	_ =	strace $0x9FFFFFFF  }
0xc3: {  	(tm) =	ssettm $0x7FFFFFFF  }
tec
execute0_lowered:
.L_overlay_start_1:
0x0: {  	(tag) =	ssettag $0x1  }
0x1: {  	s0 =	rddreg [dreg:$0x0]  }
0x2: {  	s1 =	srdreg.scid;
	s8 =	stileid.u32  }
0x3: {  	s3 =	rddreg [dreg:$0x2];
	s5 =	simm.s32 $0x0;
	s10 =	simm.s32 $0x11  }
0x4: {  	s16 =	simm.s32 $0x80;
	s20 =	simm.s32 $0xA600;
	s29 =	simm.s32 $0x12600  }
0x5: {  	s30 =	simm.s32 $0x1;
	s31 =	simm.s32 $0x14600;
	s11 =	simm.s32 $0x7  }
0x6: {  	s13 =	simm.s32 $0x8;
	s28 =	simm.s32 $0xE;
	s1 =	sand.u32 $0x1, s1  }
0x7: {  	s2 =	sshll.u32 s8, $0xA;
	[smem:$0x7FF] =	sst s5;
	s5 =	sadd.s32 $0xF43800, s0  }
0x8: {  	s6 =	sshll.u32 s8, $0x6;
	s24 =	sshll.u32 s8, $0xF;
	s4 =	sshll.u32 s1, $0x9  }
0x9: {  	_ =	strace $0x80000047;
	s1 =	ssub.s32 $0x2, s1;
	s7 =	sadd.s32 s6, s0  }
0xa: {  	s12 =	sor.u32 $0x1C11, s6;
	s6 =	simm.s32 $0xF;
	s2 =	sor.u32 s4, s2  }
0xb: {  	s22 =	sshrl.u32 s1, $0x1;
	s25 =	sadd.s32 $0x1A400, s7;
	s7 =	simm.s32 $0x0  }
0xc: {  	[dreg:$0x8] =	wrdreg s12;
	s4 =	sshrl.u32 s2, $0x3;
	s2 =	sshll.u32 s2, $0x3  }
0xd: {  	s1 =	ssub.s32 s1, s22;
	[dreg:$0x5] =	wrdreg s25;
	s4 =	sadd.s32 s4, s0  }
.Ltmp0:
0xe: {  	s0 =	sadd.s32 s2, s0;
	s26 =	smax.u32 s1, $0x1;
	(pc) =	sbr.rel .LBB2_1-.Ltmp0, $4  }
0xf: {  	s2 =	sadd.s32 s24, s3;
	s23 =	sadd.s32 $0x1400, s4;
	[dreg:$0x7] =	wrdreg s26  }
0x10: {  	s24 =	simm.s32 $0xE600;
	s0 =	sadd.s32 $0x1A800, s0;
	[dreg:$0x4] =	wrdreg s23  }
0x11: {  	s1 =	simm.s32 $0x2;
	s14 =	sshrl.u32 s2, $0x3;
	[dreg:$0x6] =	wrdreg s0  }
0x12: {  	s2 =	simm.s32 $0x5;
	s0 =	simm.s32 $0x3;
	[dreg:$0x9] =	wrdreg s14  }
.LBB2_4:
0x13: {  	_ =	swait.ge [sflag:s13], $0x2000  }
0x14: {  	[sflag:s13] =	ssyncset.done $0x0  }
0x15: {  	s4 =	simm.s32 $0x9;
	[sflag:s13] =	ssyncadd.s32 $0xFFFFE000  }
0x16: {  	[spmem:s3] =	stream.indirect.scatter.add.f32 [tilespmem:s31], [sflag:$0x10], $0x40, s15, s16, $0xb8;
	[tilespmem:$0x1E600] =	vst v63  }
0x17: {  	_ =	swait.ge [sflag:s4], $0x2000  }
0x18: {  	[sflag:s4] =	ssyncset.done $0x0  }
0x19: {  	s18 =	simm.s32 $0xA;
	[sflag:s4] =	ssyncadd.s32 $0xFFFFE000  }
0x1a: {  	_ =	swait.ge [sflag:s18], $0x2000  }
0x1b: {  	[sflag:s18] =	ssyncset.done $0x0  }
0x1c: {  	s19 =	simm.s32 $0xB;
	[sflag:s18] =	ssyncadd.s32 $0xFFFFE000  }
0x1d: {  	_ =	swait.ge [sflag:s19], $0x2000  }
0x1e: {  	[sflag:s19] =	ssyncset.done $0x0  }
0x1f: {  	s21 =	simm.s32 $0xC;
	[sflag:s19] =	ssyncadd.s32 $0xFFFFE000  }
0x20: {  	_ =	swait.ge [sflag:s21], $0x2000  }
0x21: {  	[sflag:s21] =	ssyncset.done $0x0  }
0x22: {  	s22 =	simm.s32 $0xD;
	[sflag:s21] =	ssyncadd.s32 $0xFFFFE000  }
0x23: {  	_ =	swait.ge [sflag:s22], $0x2000  }
0x24: {  	[sflag:s22] =	ssyncset.done $0x0  }
0x25: {  	[sflag:s22] =	ssyncadd.s32 $0xFFFFE000  }
0x26: {  	_ =	swait.ge [sflag:s28], $0x2000  }
0x27: {  	[sflag:s28] =	ssyncset.done $0x0  }
0x28: {  	[sflag:s28] =	ssyncadd.s32 $0xFFFFE000  }
0x29: {  	_ =	swait.ge [sflag:s6], $0x2000  }
0x2a: {  	[sflag:s6] =	ssyncset.done $0x0  }
0x2b: {  	s23 =	simm.s32 $0x10;
	[sflag:s6] =	ssyncadd.s32 $0xFFFFE000  }
0x2c: {  	_ =	swait.ge [sflag:s23], $0x2000  }
0x2d: {  	s25 =	rddreg [dreg:$0x6]  }
0x2e: {  	[sflag:s23] =	ssyncset.done $0x0;
	s12 =	rddreg [dreg:$0x8]  }
0x2f: {  	s10 =	simm.s32 $0x11;
	s14 =	rddreg [dreg:$0x9];
	[sflag:s23] =	ssyncadd.s32 $0xFFFFE000  }
0x30: {  	[hbm:s25], [sflag:s12] =	dma.local [spmem:s14], $0x1000  }
0x31: {  	_ =	swait.ge [sflag:s10], $0x1000  }
0x32: {  	s7 =	rddreg [dreg:$0xa]  }
0x33: {  	s26 =	rddreg [dreg:$0x7];
	s7 =	sadd.s32 $0x1, s7  }
0x34: {  	p0 =	sne.s32 s7, s26  }
.Ltmp1:
0x35: {  	_ = 	snop;
	(pc) =	sbr.rel @!p0 .LBB2_5-.Ltmp1, $3  }
0x36: {  	_ =	sdelay $0x1  }
0x37: {  	[sflag:s10] =	ssyncset.done $0x0  }
0x38: {  	[sflag:s10] =	ssyncadd.s32 $0xFFFFF000  }
.LBB2_1:
0x39: {  	[dreg:$0xa] =	wrdreg s7;
	s23 =	simm.s32 $0x0  }
0x3a: {  	s4 =	rddreg [dreg:$0x4];
	s8 =	simm.s32 $0x200;
	s9 =	simm.s32 $0x4000  }
0x3b: {  	[tilespmem:s23], [sflag:$0x11] =	stream.strided.gather [hbm4b:s4+s8], $0x6400, s9, s8, $0x38;
	[tilespmem:$0x1E600] =	vst v63  }
0x3c: {  	_ =	swait.ge [sflag:s10], $0x6400  }
0x3d: {  	[sflag:s10] =	ssyncset.done $0x0  }
0x3e: {  	s26 =	simm.s32 $0x6400;
	s25 =	rddreg [dreg:$0x5];
	[sflag:s10] =	ssyncadd.s32 $0xFFFF9C00  }
0x3f: {  	[tilespmem:s26], [sflag:$0x11] =	stream.linear.gather [hbm4b:s25+s23], $0x200, $0x38;
	[tilespmem:$0x1E600] =	vst v63  }
0x40: {  	_ =	swait.ge [sflag:s10], $0x200  }
0x41: {  	[sflag:s10] =	ssyncset.done $0x0  }
0x42: {  	[sflag:s10] =	ssyncadd.s32 $0xFFFFFE00  }
0x43: {  	s9 =	rddreg [dreg:$0x1]  }
0x44: {  	[spmem:s14], [sflag:s12] =	dma.local [hbm:s9], $0x1000  }
0x45: {  	_ =	swait.ge [sflag:s10], $0x1000  }
0x46: {  	[sflag:s10] =	ssyncset.done $0x0  }
0x47: {  	s15 =	simm.s32 $0x6600;
	[sflag:s10] =	ssyncadd.s32 $0xFFFFF000  }
0x48: {  	[tilespmem:s15], [sflag:$0x1] =	stream.indirect.gather [hbm4b:s5+s16], $0x40, s23, s16, $0xb8;
	[tilespmem:$0x1E600] =	vst v63  }
0x49: {  	s17 =	simm.s32 $0x8600;
	s18 =	simm.s32 $0x400;
	s19 =	simm.s32 $0x600  }
0x4a: {  	[tilespmem:s17], [sflag:$0x2] =	stream.indirect.gather [hbm4b:s5+s16], $0x40, s8, s16, $0xb8;
	[tilespmem:$0x1E600] =	vst v63  }
0x4b: {  	s21 =	simm.s32 $0xC600;
	s22 =	simm.s32 $0x800;
	s4 =	simm.s32 $0xD  }
0x4c: {  	[tilespmem:s20], [sflag:$0x3] =	stream.indirect.gather [hbm4b:s5+s16], $0x40, s18, s16, $0xb8;
	[tilespmem:$0x1E600] =	vst v63  }
0x4d: {  	s25 =	simm.s32 $0x10600;
	s26 =	simm.s32 $0xC00;
	s9 =	simm.s32 $0xE  }
0x4e: {  	[tilespmem:s21], [sflag:$0x4] =	stream.indirect.gather [hbm4b:s5+s16], $0x40, s19, s16, $0xb8;
	[tilespmem:$0x1E600] =	vst v63  }
0x4f: {  	s14 =	simm.s32 $0x0;
	s10 =	simm.s32 $0x7;
	s23 =	simm.s32 $0xA00  }
0x50: {  	[tilespmem:s24], [sflag:$0x5] =	stream.indirect.gather [hbm4b:s5+s16], $0x40, s22, s16, $0xb8;
	[tilespmem:$0x1E600] =	vst v63  }
0x51: {  	s8 =	simm.s32 $0xE00;
	s19 =	simm.s32 $0xC;
	s21 =	simm.s32 $0xB  }
0x52: {  	[tilespmem:s25], [sflag:$0x6] =	stream.indirect.gather [hbm4b:s5+s16], $0x40, s23, s16, $0xb8;
	[tilespmem:$0x1E600] =	vst v63  }
0x53: {  	s22 =	simm.s32 $0xA;
	s23 =	simm.s32 $0x9;
	s25 =	simm.s32 $0x8  }
0x54: {  	[tilespmem:s29], [sflag:$0x7] =	stream.indirect.gather [hbm4b:s5+s16], $0x40, s26, s16, $0xb8;
	[tilespmem:$0x1E600] =	vst v63  }
.LBB2_2:
0x55: {  	s15 =	smul.u32 $0x29, s14  }
0x56: {  	_ =	swait.ge [sflag:s30], $0x2000  }
0x57: {  	s12 =	smulhi.u32 $0x51EB851F, s10;
	s7 =	simm.s32 $0x6600;
	s15 =	sshrl.u32 s15, $0x4  }
0x58: {  	p0 =	seq.s32 s14, $0x0;
	[sflag:s30] =	ssyncset.done $0x0;
	s15 =	sor.u32 $0x6400, s15  }
0x59: {  	[sflag:s30] =	ssyncadd.s32 $0xFFFFE000;
	s12 =	sshrl.u32 s12, $0x4;
	s15 =	sand.u32 $0x6F80, s15  }
0x5a: {  	[spmem:s3] =	stream.indirect.scatter.add.f32 [tilespmem:s7], [sflag:$0x9], $0x40, s15, s16, $0xb8;
	[tilespmem:$0x1E600] =	vst v63  }
0x5b: {  	s12 =	smul.u32 $0xFFFE7200, s12;
	s7 =	simm.s32 @!p0 $0x10  }
0x5c: {  	s18 =	smulhi.u32 $0x51EB851F, s25;
	_ =	swait.ge @!p0 [sflag:s7], $0x2000  }
0x5d: {  	s12 =	sshra.s32 s12, $0x2;
	[sflag:s7] =	ssyncset.done @!p0 $0x0  }
0x5e: {  	s17 =	sadd.s32 s12, s8;
	[sflag:s7] =	ssyncadd.s32 @!p0 $0xFFFFE000;
	s7 =	sshrl.u32 s18, $0x4  }
0x5f: {  	[tilespmem:s31], [sflag:$0x8] =	stream.indirect.gather [hbm4b:s5+s16], $0x40, s17, s16, $0xb8;
	[tilespmem:$0x1E600] =	vst v63  }
0x60: {  	p0 =	seq.s32 s14, $0xC0;
	s7 =	smul.u32 $0xFFFE7200, s7;
	_ =	swait.ge [sflag:s1], $0x2000  }
0x61: {  	s26 =	simm.s32 $0x8600;
	s12 =	simm.s32 @!p0 $0x9;
	[sflag:s1] =	ssyncset.done $0x0  }
0x62: {  	s17 =	sor.u32 $0x2, s14;
	s7 =	sshra.s32 @!p0 s7, $0x2;
	[sflag:s1] =	ssyncadd.s32 $0xFFFFE000  }
0x63: {  	[spmem:s3] =	stream.indirect.scatter.add.f32 [tilespmem:s26], [sflag:$0xA], $0x40, s15, s16, $0xb8;
	[tilespmem:$0x1E600] =	vst v63  }
0x64: {  	s18 =	sand.u32 $0xFF, s17;
	s7 =	sadd.s32 @!p0 s7, s8;
	_ =	swait.ge @!p0 [sflag:s12], $0x2000  }
0x65: {  	s7 =	sadd.s32 @!p0 $0x200, s7;
	s15 =	simm.s32 @!p0 $0x80;
	[sflag:s12] =	ssyncset.done @!p0 $0x0  }
0x66: {  	s26 =	simm.s32 @!p0 $0x6600;
	[sflag:s12] =	ssyncadd.s32 @!p0 $0xFFFFE000;
	s12 =	smul.u32 $0x29, s18  }
0x67: {  	[tilespmem:s26], [sflag:$0x1] =	stream.indirect.gather @!p0 [hbm4b:s5+s15], $0x40, s7, s15, $0xb8;
	[tilespmem:$0x1E600] =	vst v63  }
0x68: {  	_ =	swait.ge [sflag:s0], $0x2000;
	s12 =	sshrl.u32 s12, $0x4  }
0x69: {  	s17 =	smulhi.u32 $0x51EB851F, s23;
	[sflag:s0] =	ssyncset.done $0x0;
	s7 =	sand.u32 $0x380, s12  }
0x6a: {  	s26 =	simm.s32 @p0 $0x4;
	[sflag:s0] =	ssyncadd.s32 $0xFFFFE000;
	s7 =	sor.u32 $0x6400, s7  }
0x6b: {  	[spmem:s3] =	stream.indirect.scatter.add.f32 [tilespmem:s20], [sflag:$0xB], $0x40, s7, s16, $0xb8;
	[tilespmem:$0x1E600] =	vst v63  }
0x6c: {  	_ =	swait.ge @p0 [sflag:s26], $0x2000  }
0x6d: {  	s12 =	sshrl.u32 s17, $0x4;
	s17 =	simm.s32 @p0 $0xC600;
	[sflag:s26] =	ssyncset.done @p0 $0x0  }
0x6e: {  	s12 =	smul.u32 $0xFFFE7200, s12;
	[sflag:s26] =	ssyncadd.s32 @p0 $0xFFFFE000;
	s26 =	simm.s32 @p0 $0x80  }
0x6f: {  	[spmem:s3] =	stream.indirect.scatter.add.f32 @p0 [tilespmem:s17], [sflag:$0xC], $0x40, s7, s26, $0xb8;
	[tilespmem:$0x1E600] =	vst v63  }
0x70: {  	s17 =	simm.s32 @!p0 $0xA  }
0x71: {  	s12 =	sshra.s32 @!p0 s12, $0x2;
	_ =	swait.ge @!p0 [sflag:s17], $0x2000  }
0x72: {  	s12 =	sadd.s32 @!p0 s12, s8;
	[sflag:s17] =	ssyncset.done @!p0 $0x0  }
0x73: {  	s12 =	sadd.s32 @!p0 $0x400, s12;
	[sflag:s17] =	ssyncadd.s32 @!p0 $0xFFFFE000;
	s17 =	simm.s32 @!p0 $0x8600  }
0x74: {  	[tilespmem:s17], [sflag:$0x2] =	stream.indirect.gather @!p0 [hbm4b:s5+s15], $0x40, s12, s15, $0xb8;
	[tilespmem:$0x1E600] =	vst v63  }
0x75: {  	s12 =	simm.s32 @!p0 $0x4  }
0x76: {  	s18 =	smulhi.u32 $0x51EB851F, s22;
	_ =	swait.ge @!p0 [sflag:s12], $0x2000  }
0x77: {  	[sflag:s12] =	ssyncset.done @!p0 $0x0  }
0x78: {  	s17 =	sshrl.u32 s18, $0x4;
	[sflag:s12] =	ssyncadd.s32 @!p0 $0xFFFFE000;
	s12 =	simm.s32 @!p0 $0xC600  }
0x79: {  	[spmem:s3] =	stream.indirect.scatter.add.f32 @!p0 [tilespmem:s12], [sflag:$0xC], $0x40, s7, s15, $0xb8;
	[tilespmem:$0x1E600] =	vst v63  }
0x7a: {  	s7 =	smul.u32 $0xFFFE7200, s17;
	s17 =	simm.s32 @!p0 $0xB  }
0x7b: {  	_ =	swait.ge @!p0 [sflag:s17], $0x2000  }
0x7c: {  	s18 =	sor.u32 $0x4, s14;
	[sflag:s17] =	ssyncset.done @!p0 $0x0;
	s7 =	sshra.s32 @!p0 s7, $0x2  }
0x7d: {  	[sflag:s17] =	ssyncadd.s32 @!p0 $0xFFFFE000;
	s7 =	sadd.s32 @!p0 s7, s8;
	s17 =	sand.u32 $0xFF, s18  }
0x7e: {  	s18 =	simm.s32 @!p0 $0xA600;
	s7 =	sadd.s32 @!p0 $0x600, s7;
	s17 =	smul.u32 $0x29, s17  }
0x7f: {  	[tilespmem:s18], [sflag:$0x3] =	stream.indirect.gather @!p0 [hbm4b:s5+s15], $0x40, s7, s15, $0xb8;
	[tilespmem:$0x1E600] =	vst v63  }
0x80: {  	_ =	swait.ge [sflag:s2], $0x2000;
	s17 =	sshrl.u32 s17, $0x4  }
0x81: {  	[sflag:s2] =	ssyncset.done $0x0;
	s7 =	sand.u32 $0x380, s17  }
0x82: {  	s17 =	simm.s32 @p0 $0x6;
	[sflag:s2] =	ssyncadd.s32 $0xFFFFE000;
	s7 =	sor.u32 $0x6400, s7  }
0x83: {  	[spmem:s3] =	stream.indirect.scatter.add.f32 [tilespmem:s24], [sflag:$0xD], $0x40, s7, s16, $0xb8;
	[tilespmem:$0x1E600] =	vst v63  }
0x84: {  	s18 =	smulhi.u32 $0x51EB851F, s21;
	_ =	swait.ge @p0 [sflag:s17], $0x2000  }
0x85: {  	[sflag:s17] =	ssyncset.done @p0 $0x0  }
0x86: {  	s18 =	sshrl.u32 s18, $0x4;
	[sflag:s17] =	ssyncadd.s32 @p0 $0xFFFFE000;
	s17 =	simm.s32 @p0 $0x10600  }
0x87: {  	[spmem:s3] =	stream.indirect.scatter.add.f32 @p0 [tilespmem:s17], [sflag:$0xE], $0x40, s7, s26, $0xb8;
	[tilespmem:$0x1E600] =	vst v63  }
0x88: {  	s17 =	smul.u32 $0xFFFE7200, s18  }
0x89: {  	s18 =	simm.s32 @!p0 $0xC  }
0x8a: {  	_ =	swait.ge @!p0 [sflag:s18], $0x2000;
	s17 =	sshra.s32 @!p0 s17, $0x2  }
0x8b: {  	[sflag:s18] =	ssyncset.done @!p0 $0x0;
	s17 =	sadd.s32 @!p0 s17, s8  }
0x8c: {  	[sflag:s18] =	ssyncadd.s32 @!p0 $0xFFFFE000;
	s17 =	sadd.s32 @!p0 $0x800, s17  }
0x8d: {  	[tilespmem:s12], [sflag:$0x4] =	stream.indirect.gather @!p0 [hbm4b:s5+s15], $0x40, s17, s15, $0xb8;
	[tilespmem:$0x1E600] =	vst v63  }
0x8e: {  	s12 =	simm.s32 @!p0 $0x6  }
0x8f: {  	s26 =	smulhi.u32 $0x51EB851F, s19;
	_ =	swait.ge @!p0 [sflag:s12], $0x2000  }
0x90: {  	[sflag:s12] =	ssyncset.done @!p0 $0x0  }
0x91: {  	s17 =	sshrl.u32 s26, $0x4;
	[sflag:s12] =	ssyncadd.s32 @!p0 $0xFFFFE000;
	s12 =	simm.s32 @!p0 $0x10600  }
0x92: {  	[spmem:s3] =	stream.indirect.scatter.add.f32 @!p0 [tilespmem:s12], [sflag:$0xE], $0x40, s7, s15, $0xb8;
	[tilespmem:$0x1E600] =	vst v63  }
0x93: {  	s7 =	smul.u32 $0xFFFE7200, s17  }
0x94: {  	s18 =	sor.u32 $0x6, s14;
	s12 =	simm.s32 @!p0 $0xD  }
0x95: {  	s26 =	sand.u32 $0xFF, s18;
	_ =	swait.ge @!p0 [sflag:s12], $0x2000;
	s7 =	sshra.s32 @!p0 s7, $0x2  }
0x96: {  	s17 =	simm.s32 @!p0 $0xE600;
	[sflag:s12] =	ssyncset.done @!p0 $0x0;
	s7 =	sadd.s32 @!p0 s7, s8  }
0x97: {  	[sflag:s12] =	ssyncadd.s32 @!p0 $0xFFFFE000;
	s12 =	smul.u32 $0x29, s26;
	s7 =	sadd.s32 @!p0 $0xA00, s7  }
0x98: {  	[tilespmem:s17], [sflag:$0x5] =	stream.indirect.gather @!p0 [hbm4b:s5+s15], $0x40, s7, s15, $0xb8;
	[tilespmem:$0x1E600] =	vst v63  }
0x99: {  	s18 =	sadd.s32 $0x7, s14;
	s17 =	sshrl.u32 s12, $0x4  }
0x9a: {  	s12 =	smul.u32 $0x29, s18;
	_ =	swait.ge [sflag:s11], $0x2000;
	s7 =	sand.u32 $0x380, s17  }
0x9b: {  	[sflag:s11] =	ssyncset.done $0x0;
	s7 =	sor.u32 $0x6400, s7  }
.Ltmp2:
0x9c: {  	s26 =	sshrl.u32 s12, $0x2;
	[sflag:s11] =	ssyncadd.s32 $0xFFFFE000;
	(pc) =	sbr.rel @p0 .LBB2_4-.Ltmp2, $4  }
0x9d: {  	[spmem:s3] =	stream.indirect.scatter.add.f32 [tilespmem:s29], [sflag:$0xF], $0x40, s7, s16, $0xb8;
	[tilespmem:$0x1E600] =	vst v63  }
0x9e: {  	s7 =	sand.u32 $0x3E00, s26  }
0x9f: {  	s7 =	sshrl.u32 s7, $0x2  }
0xa0: {  	s15 =	sadd.s32 $0x6400, s7  }
0xa1: {  	s7 =	smulhi.u32 $0x51EB851F, s4;
	_ =	sdelay $0x1  }
0xa2: {  	s7 =	sshrl.u32 s7, $0x4  }
0xa3: {  	s7 =	smul.u32 $0xFFFE7200, s7;
	_ =	sdelay $0x1  }
0xa4: {  	_ =	swait.ge [sflag:s28], $0x2000;
	s12 =	smulhi.u32 $0x51EB851F, s9;
	s7 =	sshra.s32 s7, $0x2  }
0xa5: {  	s17 =	simm.s32 $0x10600;
	[sflag:s28] =	ssyncset.done $0x0;
	s7 =	sadd.s32 s7, s8  }
0xa6: {  	s14 =	sadd.s32 $0x8, s14;
	[sflag:s28] =	ssyncadd.s32 $0xFFFFE000;
	s7 =	sadd.s32 $0xC00, s7  }
0xa7: {  	[tilespmem:s17], [sflag:$0x6] =	stream.indirect.gather [hbm4b:s5+s16], $0x40, s7, s16, $0xb8;
	[tilespmem:$0x1E600] =	vst v63  }
0xa8: {  	s10 =	sadd.s32 $0x8, s10;
	s25 =	sadd.s32 $0x8, s25;
	_ =	swait.ge [sflag:s13], $0x2000  }
0xa9: {  	s23 =	sadd.s32 $0x8, s23;
	s26 =	sshrl.u32 s12, $0x4;
	[sflag:s13] =	ssyncset.done $0x0  }
0xaa: {  	s22 =	sadd.s32 $0x8, s22;
	s7 =	smul.u32 $0xFFFE7200, s26;
	[sflag:s13] =	ssyncadd.s32 $0xFFFFE000  }
0xab: {  	[spmem:s3] =	stream.indirect.scatter.add.f32 [tilespmem:s31], [sflag:$0x10], $0x40, s15, s16, $0xb8;
	[tilespmem:$0x1E600] =	vst v63  }
.Ltmp3:
0xac: {  	s21 =	sadd.s32 $0x8, s21;
	s19 =	sadd.s32 $0x8, s19;
	(pc) =	sbr.rel .LBB2_2-.Ltmp3, $4  }
0xad: {  	s4 =	sadd.s32 $0x8, s4;
	s7 =	sshra.s32 s7, $0x2;
	_ =	swait.ge [sflag:s6], $0x2000  }
0xae: {  	s9 =	sadd.s32 $0x8, s9;
	s7 =	sadd.s32 s7, s8;
	[sflag:s6] =	ssyncset.done $0x0  }
0xaf: {  	s8 =	sadd.s32 $0x1000, s8;
	s7 =	sadd.s32 $0xE00, s7;
	[sflag:s6] =	ssyncadd.s32 $0xFFFFE000  }
0xb0: {  	[tilespmem:s29], [sflag:$0x7] =	stream.indirect.gather [hbm4b:s5+s16], $0x40, s7, s16, $0xb8;
	[tilespmem:$0x1E600] =	vst v63  }
.LBB2_5:
0xb1: {  	_ =	sfence.sel $0x180000  }
0xb2: {  	[bflag:$0x0] =	sbarrier.arrive $0xFFFF  }
0xb3: {  	_ =	strace $0x90000047  }
0xb4: {  	s0 =	stileid.u32;
	[bflag:$0x2] =	sbarrier.arrive $0xFFFF  }
0xb5: {  	p0 =	sne.s32 s0, $0x0;
	s0 =	rddreg [dreg:$0x3]  }
0xb6: {  	s0 =	sadd.s32 @!p0 $0x100000, s0  }
0xb7: {  	[sflag:s0] =	ssyncadd.tile.s32 @!p0 $0x1;
	_ =	shalt  }
.Lfunc_end2:
_tile_overlayer_lowered:
.L_overlay_start_2:
0xb8: {  	(tag) =	ssettag $0x2  }
0xb9: {  	s0 =	rddreg [dreg:$0x0];
	s2 =	stileid.u32  }
0xba: {  	s1 =	rddreg [dreg:$0x1];
	p0 =	sne.s32 s2, $0x0  }
0xbb: {  	s3 =	rddreg [dreg:$0x2];
	[bflag:$0x3] =	sbarrier.arrive $0xFFFF;
	s2 =	simm.s32 @!p0 $0x1C11  }
0xbc: {  	[timem:s3], [sflag:s2] =	dma.local @!p0 [hbm:s0], s1  }
0xbd: {  	s0 =	simm.s32 @!p0 $0x11  }
0xbe: {  	_ =	swait.ge @!p0 [sflag:s0], s1  }
0xbf: {  	s1 =	ssub.s32 @!p0 $0x0, s1;
	[sflag:s0] =	ssyncset.done @!p0 $0x0  }
0xc0: {  	[sflag:s0] =	ssyncadd.s32 @!p0 s1  }
0xc1: {  	[bflag:$0x3] =	sbarrier.arrive $0xFFFF  }
0xc2: {  	_ =	shalt  }

</sc_bundles>
